<compile_context>
chip_gen: v7x
topology: tpu7x:2x2x1
jax: 0.10.2.dev20260603
libtpu: 0.0.44.dev20260713+nightly
codegen_flags: <defaults>
</compile_context>

<pallas_src>
import functools
import math

import jax
import jax.numpy as jnp
from jax import lax
from jax.experimental import pallas as pl
from jax.experimental.pallas import tpu as pltpu
from jax.experimental.pallas import tpu_sc as plsc

N = 10000
E = 160000
D = 256
B = 128
EPS = 1e-5

NC = 2
NS = 16
NW = NC * NS
L = 16

NPAD = 10240
PADBIN = NPAD - 1
EPAD = 160256
EV_A = EPAD // NS
EV_C = EPAD // NW
SL = NPAD // NS

KN = 2048
GN = NPAD // KN
KE = 8000
GE = E // KE
GRID = GN + GE


def _sc_body(src_hbm, w_hbm, srca, hist, tmp, comb, wsl,
             wtab, srcc, wbuf, hists_sh, wcomb_sh):
    c = lax.axis_index("c")
    s = lax.axis_index("s")
    wid = c * NS + s

    pltpu.sync_copy(src_hbm.at[pl.ds(s * EV_A, EV_A)], srca)

    def _zero(i, _):
        hist[pl.ds(i * L, L)] = jnp.zeros((L,), jnp.int32)
        return _
    lax.fori_loop(0, NPAD // L, _zero, None)

    ones = jnp.ones((L,), jnp.int32)

    def _hist(i, _):
        idx = srca[pl.ds(i * L, L)]
        plsc.addupdate_scatter(hist, [idx], ones)
        return _
    lax.fori_loop(0, EV_A // L, _hist, None)

    pltpu.sync_copy(hist, hists_sh.at[s])
    plsc.subcore_barrier()

    base = s * SL

    def _clr(i, _):
        comb[pl.ds(i * L, L)] = jnp.zeros((L,), jnp.int32)
        return _
    lax.fori_loop(0, SL // L, _clr, None)

    def _row(j, _):
        pltpu.sync_copy(hists_sh.at[j, pl.ds(base, SL)], tmp)

        def _add(k, __):
            sl = pl.ds(k * L, L)
            comb[sl] = comb[sl] + tmp[sl]
            return __
        lax.fori_loop(0, SL // L, _add, None)
        return _
    lax.fori_loop(0, NS, _row, None)

    def _rcp(k, _):
        sl = pl.ds(k * L, L)
        d = comb[sl].astype(jnp.float32)
        wsl[sl] = 1.0 / jnp.maximum(d, 1.0)
        return _
    lax.fori_loop(0, SL // L, _rcp, None)

    pltpu.sync_copy(wsl, wcomb_sh.at[pl.ds(base, SL)])
    plsc.subcore_barrier()
    pltpu.sync_copy(wcomb_sh, wtab)

    pltpu.sync_copy(src_hbm.at[pl.ds(wid * EV_C, EV_C)], srcc)

    def _gat(i, _):
        sl = pl.ds(i * L, L)
        idx = srcc[sl]
        wbuf[sl] = plsc.load_gather(wtab, [idx])
        return _
    lax.fori_loop(0, EV_C // L, _gat, None)

    pltpu.sync_copy(wbuf, w_hbm.at[pl.ds(wid * EV_C, EV_C)])


@functools.lru_cache(maxsize=None)
def _sc_weights():
  return functools.partial(
    pl.kernel,
    out_type=jax.ShapeDtypeStruct((EPAD,), jnp.float32),
    mesh=plsc.VectorSubcoreMesh(core_axis_name="c", subcore_axis_name="s",
                                num_cores=NC, num_subcores=NS),
    scratch_types=[
        pltpu.VMEM((EV_A,), jnp.int32),
        pltpu.VMEM((NPAD,), jnp.int32),
        pltpu.VMEM((SL,), jnp.int32),
        pltpu.VMEM((SL,), jnp.int32),
        pltpu.VMEM((SL,), jnp.float32),
        pltpu.VMEM((NPAD,), jnp.float32),
        pltpu.VMEM((EV_C,), jnp.int32),
        pltpu.VMEM((EV_C,), jnp.float32),
        pltpu.VMEM_SHARED((NS, NPAD), jnp.int32),
        pltpu.VMEM_SHARED((NPAD,), jnp.float32),
    ],
    compiler_params=pltpu.CompilerParams(needs_layout_passes=False),
  )(_sc_body)


def _tc_node_body(batch_r, x_r, accv_r, cnt_r, ltc_r, lec_r):
    i = pl.program_id(0)
    f32 = jnp.float32
    bf16 = jnp.bfloat16
    dn = (((1,), (0,)), ((), ()))

    @pl.when(i == 0)
    def _init():
        accv_r[...] = jnp.zeros((B, D), f32)
        cnt_r[...] = jnp.zeros((B, 1), f32)
        ltc_r[...] = jnp.zeros((B, 1), f32)
        lec_r[...] = jnp.zeros((B, 1), f32)

    bb = batch_r[0].astype(bf16)
    xb = x_r[...].astype(bf16)
    gid = lax.broadcasted_iota(jnp.int32, (B, KN), 0).astype(bf16)
    oh = jnp.where(gid == bb, bf16(1), bf16(0))
    lt = jnp.where(gid > bb, bf16(1), bf16(0))
    le = jnp.where(gid >= bb, bf16(1), bf16(0))
    onesc = jnp.ones((KN, 1), bf16)
    accv_r[...] += lax.dot_general(oh, xb, dn, preferred_element_type=f32)
    cnt_r[...] += lax.dot_general(oh, onesc, dn, preferred_element_type=f32)
    ltc_r[...] += lax.dot_general(lt, onesc, dn, preferred_element_type=f32)
    lec_r[...] += lax.dot_general(le, onesc, dn, preferred_element_type=f32)


def _tc_edge_body(src_r, w_r, ea_r, u_r, w0_r, w1_r, w2_r, cst_r,
                  accv_r, cnt_r, ltc_r, lec_r, out_r, acc_e):
    i = pl.program_id(0)
    f32 = jnp.float32
    bf16 = jnp.bfloat16
    dn = (((1,), (0,)), ((), ()))
    dnt = (((1,), (1,)), ((), ()))

    @pl.when(i == 0)
    def _init():
        acc_e[...] = jnp.zeros((B, D), f32)

    sb = src_r[0].astype(f32)
    wb = w_r[0]
    eb = ea_r[...].astype(bf16)
    hit = (sb >= ltc_r[...]) & (sb < lec_r[...])
    ohw = jnp.where(hit, wb, 0.0).astype(bf16)
    acc_e[...] += lax.dot_general(ohw, eb, dn, preferred_element_type=f32)

    @pl.when(i == GE - 1)
    def _fin():
        inv = 1.0 / jnp.maximum(cnt_r[...], 1.0)
        ue = acc_e[...] * inv
        uv = accv_r[...] * inv
        cst = cst_r[...]
        h = (lax.dot_general(ue, w0_r[:, 0:D], dnt, preferred_element_type=f32)
             + lax.dot_general(uv, w0_r[:, D:2 * D], dnt, preferred_element_type=f32)
             + lax.dot_general(u_r[...], w0_r[:, 2 * D:3 * D], dnt, preferred_element_type=f32))
        h = jnp.maximum(h + cst[0:1], 0.0) * cst[1:2] + cst[2:3]
        h = lax.dot_general(h, w1_r[...], dnt, preferred_element_type=f32)
        h = jnp.maximum(h + cst[3:4], 0.0) * cst[4:5] + cst[5:6]
        h = lax.dot_general(h, w2_r[...], dnt, preferred_element_type=f32)
        h = jnp.maximum(h + cst[6:7], 0.0) * cst[7:8] + cst[8:9]
        out_r[...] = h


def _tc_main(batch3, xp, src3, w3, eab, u, W0, W1, W2, cst):
    accv, cnt, ltc, lec = pl.pallas_call(
        _tc_node_body,
        grid=(GN,),
        in_specs=[
            pl.BlockSpec((1, 1, KN), lambda i: (i, 0, 0)),
            pl.BlockSpec((KN, D), lambda i: (i, 0)),
        ],
        out_specs=[
            pl.BlockSpec((B, D), lambda i: (0, 0)),
            pl.BlockSpec((B, 1), lambda i: (0, 0)),
            pl.BlockSpec((B, 1), lambda i: (0, 0)),
            pl.BlockSpec((B, 1), lambda i: (0, 0)),
        ],
        out_shape=[jax.ShapeDtypeStruct((B, D), jnp.float32),
                   jax.ShapeDtypeStruct((B, 1), jnp.float32),
                   jax.ShapeDtypeStruct((B, 1), jnp.float32),
                   jax.ShapeDtypeStruct((B, 1), jnp.float32)],
        compiler_params=pltpu.CompilerParams(
            dimension_semantics=("arbitrary",)),
    )(batch3, xp)

    return pl.pallas_call(
        _tc_edge_body,
        grid=(GE,),
        in_specs=[
            pl.BlockSpec((1, 1, KE), lambda i: (i, 0, 0)),
            pl.BlockSpec((1, 1, KE), lambda i: (i, 0, 0)),
            pl.BlockSpec((KE, D), lambda i: (i, 0)),
            pl.BlockSpec((B, D), lambda i: (0, 0)),
            pl.BlockSpec((D, 3 * D), lambda i: (0, 0)),
            pl.BlockSpec((D, D), lambda i: (0, 0)),
            pl.BlockSpec((D, D), lambda i: (0, 0)),
            pl.BlockSpec((16, D), lambda i: (0, 0)),
            pl.BlockSpec((B, D), lambda i: (0, 0)),
            pl.BlockSpec((B, 1), lambda i: (0, 0)),
            pl.BlockSpec((B, 1), lambda i: (0, 0)),
            pl.BlockSpec((B, 1), lambda i: (0, 0)),
        ],
        out_specs=pl.BlockSpec((B, D), lambda i: (0, 0)),
        out_shape=jax.ShapeDtypeStruct((B, D), jnp.float32),
        scratch_shapes=[
            pltpu.VMEM((B, D), jnp.float32),
        ],
        compiler_params=pltpu.CompilerParams(
            dimension_semantics=("arbitrary",)),
    )(src3, w3, eab, u, W0, W1, W2, cst, accv, cnt, ltc, lec)


def _finish(x, edge_attr, u, batchp, src, w, W0, b0, W1, b1, W2, b2,
            g0, be0, g1, be1, g2, be2):
    batch3 = batchp.reshape(GN, 1, KN)
    xp = jnp.pad(x, ((0, NPAD - N), (0, 0)))
    src3 = src.reshape(GE, 1, KE)
    w3 = w[:E].reshape(GE, 1, KE)
    eab = edge_attr

    s = jnp.float32(1.0 / math.sqrt(1.0 + EPS))
    zero = jnp.zeros((D,), jnp.float32)
    cst = jnp.stack([b0, g0 * s, be0, b1, g1 * s, be1, b2, g2 * s, be2,
                     zero, zero, zero, zero, zero, zero, zero])

    return _tc_main(batch3, xp, src3, w3, eab, u, W0, W1, W2, cst)


def kernel(x, edge_index, edge_attr, u, batch, W0, b0, W1, b1, W2, b2,
           g0, be0, g1, be1, g2, be2):
    src = edge_index[0].astype(jnp.int32)
    srcpad = jnp.concatenate(
        [src, jnp.full((EPAD - E,), PADBIN, jnp.int32)])
    batchp = jnp.concatenate(
        [batch.astype(jnp.int32), jnp.full((NPAD - N,), B + 7, jnp.int32)])
    w = _sc_weights()(srcpad)

    return _finish(x, edge_attr, u, batchp, src, w, W0, b0, W1, b1, W2, b2,
                   g0, be0, g1, be1, g2, be2)

# --- scband reference (transcript-rebuilt; emitter-appended) ---
"""Pipeline reference for scband-megnet-global-model-36301063586430 (READ-ONLY COPY).

The authoritative reference and input builder live on the scoring server;
editing this copy changes nothing except your own understanding.
"""

import jax, jax.numpy as jnp
import numpy as np

N = 10000
E = 160000
D = 256
B = 128
EPS = 1e-5


def _xavier(key, out_dim, in_dim):
    limit = float(np.sqrt(6.0 / (in_dim + out_dim)))
    return jax.random.uniform(key, (out_dim, in_dim), jnp.float32, -limit, limit)


def setup_inputs(seed: int = 0) -> dict:
    key = jax.random.key(seed)
    ks = jax.random.split(key, 16)
    x = jax.random.normal(ks[0], (N, D), jnp.float32)
    edge_index = jax.random.randint(ks[1], (2, E), 0, N, dtype=jnp.int64)
    edge_attr = jax.random.normal(ks[2], (E, D), jnp.float32)
    u = jax.random.normal(ks[3], (B, D), jnp.float32)
    batch = jnp.sort(jax.random.randint(ks[4], (N,), 0, B, dtype=jnp.int64))
    W0 = _xavier(ks[5], D, 3 * D)
    b0 = jnp.zeros((D,), jnp.float32)
    W1 = _xavier(ks[6], D, D)
    b1 = jnp.zeros((D,), jnp.float32)
    W2 = _xavier(ks[7], D, D)
    b2 = jnp.zeros((D,), jnp.float32)
    g0 = jnp.ones((D,), jnp.float32)
    be0 = jnp.zeros((D,), jnp.float32)
    g1 = jnp.ones((D,), jnp.float32)
    be1 = jnp.zeros((D,), jnp.float32)
    g2 = jnp.ones((D,), jnp.float32)
    be2 = jnp.zeros((D,), jnp.float32)
    return {"x": x, "edge_index": edge_index, "edge_attr": edge_attr, "u": u, "batch": batch,
            "W0": W0, "b0": b0, "W1": W1, "b1": b1, "W2": W2, "b2": b2,
            "g0": g0, "be0": be0, "g1": g1, "be1": be1, "g2": g2, "be2": be2}


def _scatter_mean(src, index, num_segments):
    s = jax.ops.segment_sum(src, index, num_segments=num_segments)
    c = jax.ops.segment_sum(jnp.ones((src.shape[0],), src.dtype), index, num_segments=num_segments)
    return s / jnp.maximum(c, 1.0)[:, None]


def _bn_eval(h, g, b):
    # BatchNorm1d in eval mode with running_mean=0, running_var=1
    return h / jnp.sqrt(1.0 + EPS) * g + b


def reference(x, edge_index, edge_attr, u, batch, W0, b0, W1, b1, W2, b2, g0, be0, g1, be1, g2, be2):
    n_nodes = x.shape[0]
    n_graphs = u.shape[0]
    # u_e = scatter_mean(edge_attr, edge_index[0], dim=0)  -> per-node mean of edge attrs
    u_e = _scatter_mean(edge_attr, edge_index[0, :], n_nodes)
    # u_e = scatter_mean(u_e, batch, dim=0)  -> per-graph mean
    u_e = _scatter_mean(u_e, batch, n_graphs)
    # u_v = scatter_mean(x, batch, dim=0)
    u_v = _scatter_mean(x, batch, n_graphs)
    comb = jnp.concatenate([u_e, u_v, u], axis=1)
    out = comb
    for W, b, g, be in ((W0, b0, g0, be0), (W1, b1, g1, be1), (W2, b2, g2, be2)):
        out = jax.nn.relu(out @ W.T + b)
        out = _bn_eval(out, g, be)
        # dropout_rate = 0.0 -> identity
    return out

if __name__ == "__main__":
    import jax
    _d = setup_inputs()
    print(jax.jit(kernel)(*tuple(_d.values())))

</pallas_src>

<mosaic_0001>
#map = affine_map<(d0, d1) -> (0)>
module attributes {stable_mosaic.version = 14 : i64} {
  func.func @_sc_body(%arg0: i32, %arg1: i32, %arg2: memref<160256xi32, #tpu.memory_space<hbm>>, %arg3: memref<160256xf32, #tpu.memory_space<hbm>>, %arg4: memref<10016xi32, #tpu.memory_space<vmem>>, %arg5: memref<10240xi32, #tpu.memory_space<vmem>>, %arg6: memref<640xi32, #tpu.memory_space<vmem>>, %arg7: memref<640xi32, #tpu.memory_space<vmem>>, %arg8: memref<640xf32, #tpu.memory_space<vmem>>, %arg9: memref<10240xf32, #tpu.memory_space<vmem>>, %arg10: memref<5008xi32, #tpu.memory_space<vmem>>, %arg11: memref<5008xf32, #tpu.memory_space<vmem>>, %arg12: memref<16x10240xi32, #tpu.memory_space<vmem_shared>>, %arg13: memref<10240xf32, #tpu.memory_space<vmem_shared>>) attributes {dimension_semantics = [#tpu.dimension_semantics<core_parallel>, #tpu.dimension_semantics<subcore_parallel>], iteration_bounds = array<i64: 2, 16>, scalar_prefetch = 0 : i64, scratch_operands = 10 : i64, tpu.core_type = #tpu.core_type<sc_vector_subcore>, window_params = [{transform_indices = #map}, {transform_indices = #map}]} {
    %mul3A = arith.constant 16 : i32
    %mul3A_0 = arith.muli %arg0, %mul3A : i32
    %add3A = arith.addi %mul3A_0, %arg1 : i32
    %mul3A_1 = arith.constant 10016 : i32
    %mul3A_2 = arith.muli %arg1, %mul3A_1 : i32
    "tpu.region"() ({
      %run_scoped3A = tpu.sem_alloc : memref<!tpu.dma_semaphore, #tpu.memory_space<semaphore_mem>>
      %dma_start3A = tpu.memref_slice %arg2[%mul3A_2] : memref<160256xi32, #tpu.memory_space<hbm>> -> memref<10016xi32, #tpu.memory_space<hbm>>
      %dma_start3A_40 = tpu.memref_slice %arg2[%mul3A_2] : memref<160256xi32, #tpu.memory_space<hbm>> -> memref<10016xi32, #tpu.memory_space<hbm>>
      tpu.enqueue_dma source(%dma_start3A_40 : memref<10016xi32, #tpu.memory_space<hbm>>) target(%arg4 : memref<10016xi32, #tpu.memory_space<vmem>>) target_semaphore(%run_scoped3A : memref<!tpu.dma_semaphore, #tpu.memory_space<semaphore_mem>>)
      %dma_wait3A = tpu.memref_slice %arg2[%mul3A_2] : memref<160256xi32, #tpu.memory_space<hbm>> -> memref<10016xi32, #tpu.memory_space<hbm>>
      %dma_wait3A_41 = tpu.memref_slice %arg2[%mul3A_2] : memref<160256xi32, #tpu.memory_space<hbm>> -> memref<10016xi32, #tpu.memory_space<hbm>>
      tpu.wait_dma2 semaphore(%run_scoped3A : memref<!tpu.dma_semaphore, #tpu.memory_space<semaphore_mem>>) src(%dma_wait3A_41 : memref<10016xi32, #tpu.memory_space<hbm>>) dst(%arg4 : memref<10016xi32, #tpu.memory_space<vmem>>)
      tpu.yield
    }) : () -> ()
    %scan3A = arith.constant 0 : i32
    %scan3A_3 = arith.constant 640 : i32
    %scan3A_4 = arith.addi %scan3A, %scan3A_3 : i32
    %scan3A_5 = arith.constant 1 : i32
    scf.for %scan3A_40 = %scan3A to %scan3A_4 step %scan3A_5  : i32 {
      %broadcast_in_dim3A_41 = arith.constant 0 : i32
      %broadcast_in_dim3A_42 = vector.broadcast %broadcast_in_dim3A_41 : i32 to vector<16xi32>
      %mul3A_43 = arith.constant 16 : i32
      %mul3A_44 = arith.muli %scan3A_40, %mul3A_43 : i32
      %swap3A = arith.index_cast %mul3A_44 : i32 to index
      %swap3A_45 = tpu.vector_load %arg5[%swap3A] {strides = array<i32>} : memref<10240xi32, #tpu.memory_space<vmem>>, vector<16xi32>,
      tpu.vector_store %arg5[%swap3A], %broadcast_in_dim3A_42 {strides = array<i32>} : memref<10240xi32, #tpu.memory_space<vmem>>, vector<16xi32>,
    }
    %scan3A_6 = arith.constant 640 : i32
    %broadcast_in_dim3A = arith.constant 1 : i32
    %broadcast_in_dim3A_7 = vector.broadcast %broadcast_in_dim3A : i32 to vector<16xi32>
    %scan3A_8 = arith.constant 0 : i32
    %scan3A_9 = arith.constant 626 : i32
    %scan3A_10 = arith.addi %scan3A_8, %scan3A_9 : i32
    %scan3A_11 = arith.constant 1 : i32
    scf.for %scan3A_40 = %scan3A_8 to %scan3A_10 step %scan3A_11  : i32 {
      %mul3A_41 = arith.constant 16 : i32
      %mul3A_42 = arith.muli %scan3A_40, %mul3A_41 : i32
      %get3A = arith.index_cast %mul3A_42 : i32 to index
      %get3A_43 = tpu.vector_load %arg4[%get3A] {strides = array<i32>} : memref<10016xi32, #tpu.memory_space<vmem>>, vector<16xi32>,
      tpu.vector_store_idx %arg5[%get3A_43], %broadcast_in_dim3A_7 {add = true} : memref<10240xi32, #tpu.memory_space<vmem>>[vector<16xi32>], vector<16xi32>,
    }
    %scan3A_12 = arith.constant 626 : i32
    "tpu.region"() ({
      %run_scoped3A = tpu.sem_alloc : memref<!tpu.dma_semaphore, #tpu.memory_space<semaphore_mem>>
      %dma_start3A = arith.constant 0 : i32
      %dma_start3A_40 = tpu.memref_slice %arg12[%arg1, %dma_start3A] : memref<16x10240xi32, #tpu.memory_space<vmem_shared>> -> memref<1x10240xi32, #tpu.memory_space<vmem_shared>>
      %dma_start3A_41 = tpu.memref_squeeze %dma_start3A_40 : memref<1x10240xi32, #tpu.memory_space<vmem_shared>> -> memref<10240xi32, #tpu.memory_space<vmem_shared>>
      %dma_start3A_42 = arith.constant 0 : i32
      %dma_start3A_43 = tpu.memref_slice %arg12[%arg1, %dma_start3A_42] : memref<16x10240xi32, #tpu.memory_space<vmem_shared>> -> memref<1x10240xi32, #tpu.memory_space<vmem_shared>>
      %dma_start3A_44 = tpu.memref_squeeze %dma_start3A_43 : memref<1x10240xi32, #tpu.memory_space<vmem_shared>> -> memref<10240xi32, #tpu.memory_space<vmem_shared>>
      tpu.enqueue_dma source(%arg5 : memref<10240xi32, #tpu.memory_space<vmem>>) target(%dma_start3A_44 : memref<10240xi32, #tpu.memory_space<vmem_shared>>) target_semaphore(%run_scoped3A : memref<!tpu.dma_semaphore, #tpu.memory_space<semaphore_mem>>)
      %dma_wait3A = arith.constant 0 : i32
      %dma_wait3A_45 = tpu.memref_slice %arg12[%arg1, %dma_wait3A] : memref<16x10240xi32, #tpu.memory_space<vmem_shared>> -> memref<1x10240xi32, #tpu.memory_space<vmem_shared>>
      %dma_wait3A_46 = tpu.memref_squeeze %dma_wait3A_45 : memref<1x10240xi32, #tpu.memory_space<vmem_shared>> -> memref<10240xi32, #tpu.memory_space<vmem_shared>>
      %dma_wait3A_47 = arith.constant 0 : i32
      %dma_wait3A_48 = tpu.memref_slice %arg12[%arg1, %dma_wait3A_47] : memref<16x10240xi32, #tpu.memory_space<vmem_shared>> -> memref<1x10240xi32, #tpu.memory_space<vmem_shared>>
      %dma_wait3A_49 = tpu.memref_squeeze %dma_wait3A_48 : memref<1x10240xi32, #tpu.memory_space<vmem_shared>> -> memref<10240xi32, #tpu.memory_space<vmem_shared>>
      tpu.wait_dma2 semaphore(%run_scoped3A : memref<!tpu.dma_semaphore, #tpu.memory_space<semaphore_mem>>) src(%arg5 : memref<10240xi32, #tpu.memory_space<vmem>>) dst(%dma_wait3A_49 : memref<10240xi32, #tpu.memory_space<vmem_shared>>)
      tpu.yield
    }) : () -> ()
    %barrier3A = arith.constant 0 : index
    tpu.barrier barrier_id(%barrier3A)
    %mul3A_13 = arith.constant 640 : i32
    %mul3A_14 = arith.muli %arg1, %mul3A_13 : i32
    %scan3A_15 = arith.constant 0 : i32
    %scan3A_16 = arith.constant 40 : i32
    %scan3A_17 = arith.addi %scan3A_15, %scan3A_16 : i32
    %scan3A_18 = arith.constant 1 : i32
    scf.for %scan3A_40 = %scan3A_15 to %scan3A_17 step %scan3A_18  : i32 {
      %broadcast_in_dim3A_41 = arith.constant 0 : i32
      %broadcast_in_dim3A_42 = vector.broadcast %broadcast_in_dim3A_41 : i32 to vector<16xi32>
      %mul3A_43 = arith.constant 16 : i32
      %mul3A_44 = arith.muli %scan3A_40, %mul3A_43 : i32
      %swap3A = arith.index_cast %mul3A_44 : i32 to index
      %swap3A_45 = tpu.vector_load %arg7[%swap3A] {strides = array<i32>} : memref<640xi32, #tpu.memory_space<vmem>>, vector<16xi32>,
      tpu.vector_store %arg7[%swap3A], %broadcast_in_dim3A_42 {strides = array<i32>} : memref<640xi32, #tpu.memory_space<vmem>>, vector<16xi32>,
    }
    %scan3A_19 = arith.constant 40 : i32
    %scan3A_20 = arith.constant 0 : i32
    %scan3A_21 = arith.constant 16 : i32
    %scan3A_22 = arith.addi %scan3A_20, %scan3A_21 : i32
    %scan3A_23 = arith.constant 1 : i32
    scf.for %scan3A_40 = %scan3A_20 to %scan3A_22 step %scan3A_23  : i32 {
      "tpu.region"() ({
        %run_scoped3A = tpu.sem_alloc : memref<!tpu.dma_semaphore, #tpu.memory_space<semaphore_mem>>
        %dma_start3A = tpu.memref_slice %arg12[%scan3A_40, %mul3A_14] : memref<16x10240xi32, #tpu.memory_space<vmem_shared>> -> memref<1x640xi32, #tpu.memory_space<vmem_shared>>
        %dma_start3A_46 = tpu.memref_squeeze %dma_start3A : memref<1x640xi32, #tpu.memory_space<vmem_shared>> -> memref<640xi32, #tpu.memory_space<vmem_shared>>
        %dma_start3A_47 = tpu.memref_slice %arg12[%scan3A_40, %mul3A_14] : memref<16x10240xi32, #tpu.memory_space<vmem_shared>> -> memref<1x640xi32, #tpu.memory_space<vmem_shared>>
        %dma_start3A_48 = tpu.memref_squeeze %dma_start3A_47 : memref<1x640xi32, #tpu.memory_space<vmem_shared>> -> memref<640xi32, #tpu.memory_space<vmem_shared>>
        tpu.enqueue_dma source(%dma_start3A_48 : memref<640xi32, #tpu.memory_space<vmem_shared>>) target(%arg6 : memref<640xi32, #tpu.memory_space<vmem>>) target_semaphore(%run_scoped3A : memref<!tpu.dma_semaphore, #tpu.memory_space<semaphore_mem>>)
        %dma_wait3A = tpu.memref_slice %arg12[%scan3A_40, %mul3A_14] : memref<16x10240xi32, #tpu.memory_space<vmem_shared>> -> memref<1x640xi32, #tpu.memory_space<vmem_shared>>
        %dma_wait3A_49 = tpu.memref_squeeze %dma_wait3A : memref<1x640xi32, #tpu.memory_space<vmem_shared>> -> memref<640xi32, #tpu.memory_space<vmem_shared>>
        %dma_wait3A_50 = tpu.memref_slice %arg12[%scan3A_40, %mul3A_14] : memref<16x10240xi32, #tpu.memory_space<vmem_shared>> -> memref<1x640xi32, #tpu.memory_space<vmem_shared>>
        %dma_wait3A_51 = tpu.memref_squeeze %dma_wait3A_50 : memref<1x640xi32, #tpu.memory_space<vmem_shared>> -> memref<640xi32, #tpu.memory_space<vmem_shared>>
        tpu.wait_dma2 semaphore(%run_scoped3A : memref<!tpu.dma_semaphore, #tpu.memory_space<semaphore_mem>>) src(%dma_wait3A_51 : memref<640xi32, #tpu.memory_space<vmem_shared>>) dst(%arg6 : memref<640xi32, #tpu.memory_space<vmem>>)
        tpu.yield
      }) : () -> ()
      %scan3A_41 = arith.constant 0 : i32
      %scan3A_42 = arith.constant 40 : i32
      %scan3A_43 = arith.addi %scan3A_41, %scan3A_42 : i32
      %scan3A_44 = arith.constant 1 : i32
      scf.for %scan3A_46 = %scan3A_41 to %scan3A_43 step %scan3A_44  : i32 {
        %mul3A_47 = arith.constant 16 : i32
        %mul3A_48 = arith.muli %scan3A_46, %mul3A_47 : i32
        %get3A = arith.index_cast %mul3A_48 : i32 to index
        %get3A_49 = tpu.vector_load %arg7[%get3A] {strides = array<i32>} : memref<640xi32, #tpu.memory_space<vmem>>, vector<16xi32>,
        %get3A_50 = arith.index_cast %mul3A_48 : i32 to index
        %get3A_51 = tpu.vector_load %arg6[%get3A_50] {strides = array<i32>} : memref<640xi32, #tpu.memory_space<vmem>>, vector<16xi32>,
        %add3A_52 = arith.addi %get3A_49, %get3A_51 : vector<16xi32>
        %swap3A = arith.index_cast %mul3A_48 : i32 to index
        %swap3A_53 = tpu.vector_load %arg7[%swap3A] {strides = array<i32>} : memref<640xi32, #tpu.memory_space<vmem>>, vector<16xi32>,
        tpu.vector_store %arg7[%swap3A], %add3A_52 {strides = array<i32>} : memref<640xi32, #tpu.memory_space<vmem>>, vector<16xi32>,
      }
      %scan3A_45 = arith.constant 40 : i32
    }
    %scan3A_24 = arith.constant 16 : i32
    %scan3A_25 = arith.constant 0 : i32
    %scan3A_26 = arith.constant 40 : i32
    %scan3A_27 = arith.addi %scan3A_25, %scan3A_26 : i32
    %scan3A_28 = arith.constant 1 : i32
    scf.for %scan3A_40 = %scan3A_25 to %scan3A_27 step %scan3A_28  : i32 {
      %mul3A_41 = arith.constant 16 : i32
      %mul3A_42 = arith.muli %scan3A_40, %mul3A_41 : i32
      %get3A = arith.index_cast %mul3A_42 : i32 to index
      %get3A_43 = tpu.vector_load %arg7[%get3A] {strides = array<i32>} : memref<640xi32, #tpu.memory_space<vmem>>, vector<16xi32>,
      %convert_element_type3A = arith.sitofp %get3A_43 : vector<16xi32> to vector<16xf32>
      %max3A = arith.constant 1.000000e+00 : f32
      %max3A_44 = vector.broadcast %max3A : f32 to vector<16xf32>
      %max3A_45 = arith.maximumf %convert_element_type3A, %max3A_44 : vector<16xf32>
      %div3A = arith.constant 1.000000e+00 : f32
      %div3A_46 = vector.broadcast %div3A : f32 to vector<16xf32>
      %div3A_47 = arith.divf %div3A_46, %max3A_45 : vector<16xf32>
      %swap3A = arith.index_cast %mul3A_42 : i32 to index
      %swap3A_48 = tpu.vector_load %arg8[%swap3A] {strides = array<i32>} : memref<640xf32, #tpu.memory_space<vmem>>, vector<16xf32>,
      tpu.vector_store %arg8[%swap3A], %div3A_47 {strides = array<i32>} : memref<640xf32, #tpu.memory_space<vmem>>, vector<16xf32>,
    }
    %scan3A_29 = arith.constant 40 : i32
    "tpu.region"() ({
      %run_scoped3A = tpu.sem_alloc : memref<!tpu.dma_semaphore, #tpu.memory_space<semaphore_mem>>
      %dma_start3A = tpu.memref_slice %arg13[%mul3A_14] : memref<10240xf32, #tpu.memory_space<vmem_shared>> -> memref<640xf32, #tpu.memory_space<vmem_shared>>
      %dma_start3A_40 = tpu.memref_slice %arg13[%mul3A_14] : memref<10240xf32, #tpu.memory_space<vmem_shared>> -> memref<640xf32, #tpu.memory_space<vmem_shared>>
      tpu.enqueue_dma source(%arg8 : memref<640xf32, #tpu.memory_space<vmem>>) target(%dma_start3A_40 : memref<640xf32, #tpu.memory_space<vmem_shared>>) target_semaphore(%run_scoped3A : memref<!tpu.dma_semaphore, #tpu.memory_space<semaphore_mem>>)
      %dma_wait3A = tpu.memref_slice %arg13[%mul3A_14] : memref<10240xf32, #tpu.memory_space<vmem_shared>> -> memref<640xf32, #tpu.memory_space<vmem_shared>>
      %dma_wait3A_41 = tpu.memref_slice %arg13[%mul3A_14] : memref<10240xf32, #tpu.memory_space<vmem_shared>> -> memref<640xf32, #tpu.memory_space<vmem_shared>>
      tpu.wait_dma2 semaphore(%run_scoped3A : memref<!tpu.dma_semaphore, #tpu.memory_space<semaphore_mem>>) src(%arg8 : memref<640xf32, #tpu.memory_space<vmem>>) dst(%dma_wait3A_41 : memref<640xf32, #tpu.memory_space<vmem_shared>>)
      tpu.yield
    }) : () -> ()
    %barrier3A_30 = arith.constant 0 : index
    tpu.barrier barrier_id(%barrier3A_30)
    "tpu.region"() ({
      %run_scoped3A = tpu.sem_alloc : memref<!tpu.dma_semaphore, #tpu.memory_space<semaphore_mem>>
      tpu.enqueue_dma source(%arg13 : memref<10240xf32, #tpu.memory_space<vmem_shared>>) target(%arg9 : memref<10240xf32, #tpu.memory_space<vmem>>) target_semaphore(%run_scoped3A : memref<!tpu.dma_semaphore, #tpu.memory_space<semaphore_mem>>)
      tpu.wait_dma2 semaphore(%run_scoped3A : memref<!tpu.dma_semaphore, #tpu.memory_space<semaphore_mem>>) src(%arg13 : memref<10240xf32, #tpu.memory_space<vmem_shared>>) dst(%arg9 : memref<10240xf32, #tpu.memory_space<vmem>>)
      tpu.yield
    }) : () -> ()
    %mul3A_31 = arith.constant 5008 : i32
    %mul3A_32 = arith.muli %add3A, %mul3A_31 : i32
    "tpu.region"() ({
      %run_scoped3A = tpu.sem_alloc : memref<!tpu.dma_semaphore, #tpu.memory_space<semaphore_mem>>
      %dma_start3A = tpu.memref_slice %arg2[%mul3A_32] : memref<160256xi32, #tpu.memory_space<hbm>> -> memref<5008xi32, #tpu.memory_space<hbm>>
      %dma_start3A_40 = tpu.memref_slice %arg2[%mul3A_32] : memref<160256xi32, #tpu.memory_space<hbm>> -> memref<5008xi32, #tpu.memory_space<hbm>>
      tpu.enqueue_dma source(%dma_start3A_40 : memref<5008xi32, #tpu.memory_space<hbm>>) target(%arg10 : memref<5008xi32, #tpu.memory_space<vmem>>) target_semaphore(%run_scoped3A : memref<!tpu.dma_semaphore, #tpu.memory_space<semaphore_mem>>)
      %dma_wait3A = tpu.memref_slice %arg2[%mul3A_32] : memref<160256xi32, #tpu.memory_space<hbm>> -> memref<5008xi32, #tpu.memory_space<hbm>>
      %dma_wait3A_41 = tpu.memref_slice %arg2[%mul3A_32] : memref<160256xi32, #tpu.memory_space<hbm>> -> memref<5008xi32, #tpu.memory_space<hbm>>
      tpu.wait_dma2 semaphore(%run_scoped3A : memref<!tpu.dma_semaphore, #tpu.memory_space<semaphore_mem>>) src(%dma_wait3A_41 : memref<5008xi32, #tpu.memory_space<hbm>>) dst(%arg10 : memref<5008xi32, #tpu.memory_space<vmem>>)
      tpu.yield
    }) : () -> ()
    %scan3A_33 = arith.constant 0 : i32
    %scan3A_34 = arith.constant 313 : i32
    %scan3A_35 = arith.addi %scan3A_33, %scan3A_34 : i32
    %scan3A_36 = arith.constant 1 : i32
    scf.for %scan3A_40 = %scan3A_33 to %scan3A_35 step %scan3A_36  : i32 {
      %mul3A_41 = arith.constant 16 : i32
      %mul3A_42 = arith.muli %scan3A_40, %mul3A_41 : i32
      %get3A = arith.index_cast %mul3A_42 : i32 to index
      %get3A_43 = tpu.vector_load %arg10[%get3A] {strides = array<i32>} : memref<5008xi32, #tpu.memory_space<vmem>>, vector<16xi32>,
      %gather3A = tpu.vector_load_idx %arg9[%get3A_43] : memref<10240xf32, #tpu.memory_space<vmem>>[vector<16xi32>], vector<16xf32>,
      %swap3A = arith.index_cast %mul3A_42 : i32 to index
      %swap3A_44 = tpu.vector_load %arg11[%swap3A] {strides = array<i32>} : memref<5008xf32, #tpu.memory_space<vmem>>, vector<16xf32>,
      tpu.vector_store %arg11[%swap3A], %gather3A {strides = array<i32>} : memref<5008xf32, #tpu.memory_space<vmem>>, vector<16xf32>,
    }
    %scan3A_37 = arith.constant 313 : i32
    %mul3A_38 = arith.constant 5008 : i32
    %mul3A_39 = arith.muli %add3A, %mul3A_38 : i32
    "tpu.region"() ({
      %run_scoped3A = tpu.sem_alloc : memref<!tpu.dma_semaphore, #tpu.memory_space<semaphore_mem>>
      %dma_start3A = tpu.memref_slice %arg3[%mul3A_39] : memref<160256xf32, #tpu.memory_space<hbm>> -> memref<5008xf32, #tpu.memory_space<hbm>>
      %dma_start3A_40 = tpu.memref_slice %arg3[%mul3A_39] : memref<160256xf32, #tpu.memory_space<hbm>> -> memref<5008xf32, #tpu.memory_space<hbm>>
      tpu.enqueue_dma source(%arg11 : memref<5008xf32, #tpu.memory_space<vmem>>) target(%dma_start3A_40 : memref<5008xf32, #tpu.memory_space<hbm>>) target_semaphore(%run_scoped3A : memref<!tpu.dma_semaphore, #tpu.memory_space<semaphore_mem>>)
      %dma_wait3A = tpu.memref_slice %arg3[%mul3A_39] : memref<160256xf32, #tpu.memory_space<hbm>> -> memref<5008xf32, #tpu.memory_space<hbm>>
      %dma_wait3A_41 = tpu.memref_slice %arg3[%mul3A_39] : memref<160256xf32, #tpu.memory_space<hbm>> -> memref<5008xf32, #tpu.memory_space<hbm>>
      tpu.wait_dma2 semaphore(%run_scoped3A : memref<!tpu.dma_semaphore, #tpu.memory_space<semaphore_mem>>) src(%arg11 : memref<5008xf32, #tpu.memory_space<vmem>>) dst(%dma_wait3A_41 : memref<5008xf32, #tpu.memory_space<hbm>>)
      tpu.yield
    }) : () -> ()
    return
  }
}

module attributes {stable_mosaic.version = 14 : i64} {
  func.func @_tc_node_body(%arg0: i32, %arg1: memref<1x1x2048xi32, #tpu.memory_space<vmem>>, %arg2: memref<2048x256xf32, #tpu.memory_space<vmem>>, %arg3: memref<128x256xf32, #tpu.memory_space<vmem>>, %arg4: memref<128x1xf32, #tpu.memory_space<vmem>>, %arg5: memref<128x1xf32, #tpu.memory_space<vmem>>, %arg6: memref<128x1xf32, #tpu.memory_space<vmem>>) attributes {dimension_semantics = [#tpu.dimension_semantics<arbitrary>], iteration_bounds = array<i64: 5>, scalar_prefetch = 0 : i64, scratch_operands = 0 : i64, tpu.core_type = #tpu.core_type<tc>, window_params = [{transform_indices = @transform_0, window_bounds = array<i64: 1, 1, 2048>}, {transform_indices = @transform_1, window_bounds = array<i64: 2048, 256>}, {pipeline_mode = #tpu.pipeline_mode<synchronous>, transform_indices = @transform_2, window_bounds = array<i64: 128, 256>}, {pipeline_mode = #tpu.pipeline_mode<synchronous>, transform_indices = @transform_3, window_bounds = array<i64: 128, 1>}, {pipeline_mode = #tpu.pipeline_mode<synchronous>, transform_indices = @transform_4, window_bounds = array<i64: 128, 1>}, {pipeline_mode = #tpu.pipeline_mode<synchronous>, transform_indices = @transform_5, window_bounds = array<i64: 128, 1>}]} {
    %eq3A = arith.constant 0 : i32
    %eq3A_0 = arith.cmpi eq, %arg0, %eq3A : i32
    %convert_element_type3A = arith.extui %eq3A_0 : i1 to i32
    %cond3A = arith.constant 0 : i32
    %cond3A_1 = arith.cmpi ne, %convert_element_type3A, %cond3A : i32
    scf.if %cond3A_1 {
      %broadcast_in_dim3A_63 = arith.constant 0.000000e+00 : f32
      %broadcast_in_dim3A_64 = vector.broadcast %broadcast_in_dim3A_63 : f32 to vector<128x256xf32>
      %swap3A_65 = arith.constant 0 : index
      %swap3A_66 = arith.constant 0 : index
      %swap3A_67 = vector.load %arg3[%swap3A_65, %swap3A_66] : memref<128x256xf32, #tpu.memory_space<vmem>>, vector<128x256xf32>
      tpu.vector_store %arg3[%swap3A_65, %swap3A_66], %broadcast_in_dim3A_64 {strides = array<i32>} : memref<128x256xf32, #tpu.memory_space<vmem>>, vector<128x256xf32>,
      %broadcast_in_dim3A_68 = arith.constant 0.000000e+00 : f32
      %broadcast_in_dim3A_69 = vector.broadcast %broadcast_in_dim3A_68 : f32 to vector<128x1xf32>
      %swap3A_70 = arith.constant 0 : index
      %swap3A_71 = arith.constant 0 : index
      %swap3A_72 = vector.load %arg4[%swap3A_70, %swap3A_71] : memref<128x1xf32, #tpu.memory_space<vmem>>, vector<128x1xf32>
      tpu.vector_store %arg4[%swap3A_70, %swap3A_71], %broadcast_in_dim3A_69 {strides = array<i32>} : memref<128x1xf32, #tpu.memory_space<vmem>>, vector<128x1xf32>,
      %broadcast_in_dim3A_73 = arith.constant 0.000000e+00 : f32
      %broadcast_in_dim3A_74 = vector.broadcast %broadcast_in_dim3A_73 : f32 to vector<128x1xf32>
      %swap3A_75 = arith.constant 0 : index
      %swap3A_76 = arith.constant 0 : index
      %swap3A_77 = vector.load %arg5[%swap3A_75, %swap3A_76] : memref<128x1xf32, #tpu.memory_space<vmem>>, vector<128x1xf32>
      tpu.vector_store %arg5[%swap3A_75, %swap3A_76], %broadcast_in_dim3A_74 {strides = array<i32>} : memref<128x1xf32, #tpu.memory_space<vmem>>, vector<128x1xf32>,
      %broadcast_in_dim3A_78 = arith.constant 0.000000e+00 : f32
      %broadcast_in_dim3A_79 = vector.broadcast %broadcast_in_dim3A_78 : f32 to vector<128x1xf32>
      %swap3A_80 = arith.constant 0 : index
      %swap3A_81 = arith.constant 0 : index
      %swap3A_82 = vector.load %arg6[%swap3A_80, %swap3A_81] : memref<128x1xf32, #tpu.memory_space<vmem>>, vector<128x1xf32>
      tpu.vector_store %arg6[%swap3A_80, %swap3A_81], %broadcast_in_dim3A_79 {strides = array<i32>} : memref<128x1xf32, #tpu.memory_space<vmem>>, vector<128x1xf32>,
    } else {
    }
    %get3A = arith.constant 0 : index
    %get3A_2 = arith.constant 0 : index
    %get3A_3 = arith.constant 0 : index
    %get3A_4 = vector.load %arg1[%get3A, %get3A_2, %get3A_3] : memref<1x1x2048xi32, #tpu.memory_space<vmem>>, vector<1x1x2048xi32>
    %get3A_5 = vector.shape_cast %get3A_4 : vector<1x1x2048xi32> to vector<1x2048xi32>
    %convert_element_type3A_6 = arith.sitofp %get3A_5 : vector<1x2048xi32> to vector<1x2048xbf16>
    %get3A_7 = arith.constant 0 : index
    %get3A_8 = arith.constant 0 : index
    %get3A_9 = vector.load %arg2[%get3A_7, %get3A_8] : memref<2048x256xf32, #tpu.memory_space<vmem>>, vector<2048x256xf32>
    %convert_element_type3A_10 = arith.truncf %get3A_9 : vector<2048x256xf32> to vector<2048x256xbf16>
    %iota3A = tpu.iota {dimensions = array<i32: 0>} : vector<128x2048xi32>
    %convert_element_type3A_11 = arith.sitofp %iota3A : vector<128x2048xi32> to vector<128x2048xbf16>
    %eq3A_12 = vector.broadcast %convert_element_type3A_6 : vector<1x2048xbf16> to vector<128x2048xbf16>
    %eq3A_13 = arith.cmpf oeq, %convert_element_type3A_11, %eq3A_12 : vector<128x2048xbf16>
    %jit3A = arith.constant 1.000000e+00 : bf16
    %jit3A_14 = arith.constant 0.000000e+00 : bf16
    %broadcast_in_dim3A = vector.broadcast %jit3A : bf16 to vector<128x2048xbf16>
    %broadcast_in_dim3A_15 = vector.broadcast %jit3A_14 : bf16 to vector<128x2048xbf16>
    %select_n3A = arith.select %eq3A_13, %broadcast_in_dim3A, %broadcast_in_dim3A_15 : vector<128x2048xi1>, vector<128x2048xbf16>
    %gt3A = vector.broadcast %convert_element_type3A_6 : vector<1x2048xbf16> to vector<128x2048xbf16>
    %gt3A_16 = arith.cmpf ogt, %convert_element_type3A_11, %gt3A : vector<128x2048xbf16>
    %jit3A_17 = arith.constant 1.000000e+00 : bf16
    %jit3A_18 = arith.constant 0.000000e+00 : bf16
    %broadcast_in_dim3A_19 = vector.broadcast %jit3A_17 : bf16 to vector<128x2048xbf16>
    %broadcast_in_dim3A_20 = vector.broadcast %jit3A_18 : bf16 to vector<128x2048xbf16>
    %select_n3A_21 = arith.select %gt3A_16, %broadcast_in_dim3A_19, %broadcast_in_dim3A_20 : vector<128x2048xi1>, vector<128x2048xbf16>
    %ge3A = vector.broadcast %convert_element_type3A_6 : vector<1x2048xbf16> to vector<128x2048xbf16>
    %ge3A_22 = arith.cmpf oge, %convert_element_type3A_11, %ge3A : vector<128x2048xbf16>
    %jit3A_23 = arith.constant 1.000000e+00 : bf16
    %jit3A_24 = arith.constant 0.000000e+00 : bf16
    %broadcast_in_dim3A_25 = vector.broadcast %jit3A_23 : bf16 to vector<128x2048xbf16>
    %broadcast_in_dim3A_26 = vector.broadcast %jit3A_24 : bf16 to vector<128x2048xbf16>
    %select_n3A_27 = arith.select %ge3A_22, %broadcast_in_dim3A_25, %broadcast_in_dim3A_26 : vector<128x2048xi1>, vector<128x2048xbf16>
    %broadcast_in_dim3A_28 = arith.constant 1.000000e+00 : bf16
    %broadcast_in_dim3A_29 = vector.broadcast %broadcast_in_dim3A_28 : bf16 to vector<2048x1xbf16>
    %get3A_30 = arith.constant 0 : index
    %get3A_31 = arith.constant 0 : index
    %get3A_32 = vector.load %arg3[%get3A_30, %get3A_31] : memref<128x256xf32, #tpu.memory_space<vmem>>, vector<128x256xf32>
    %dot_general3A = arith.constant dense<0.000000e+00> : vector<128x256xf32>
    %dot_general3A_33 = tpu.matmul %select_n3A, %convert_element_type3A_10, %dot_general3A {dimension_numbers = #tpu.dot_dimension_numbers<[1], [0], [0], [1], [0, 0, 1, 1], [], []>, transpose_lhs_hint = false} : vector<128x2048xbf16>, vector<2048x256xbf16>, vector<128x256xf32> -> vector<128x256xf32>
    %add3A = arith.addf %get3A_32, %dot_general3A_33 : vector<128x256xf32>
    %swap3A = arith.constant 0 : index
    %swap3A_34 = arith.constant 0 : index
    %swap3A_35 = vector.load %arg3[%swap3A, %swap3A_34] : memref<128x256xf32, #tpu.memory_space<vmem>>, vector<128x256xf32>
    tpu.vector_store %arg3[%swap3A, %swap3A_34], %add3A {strides = array<i32>} : memref<128x256xf32, #tpu.memory_space<vmem>>, vector<128x256xf32>,
    %get3A_36 = arith.constant 0 : index
    %get3A_37 = arith.constant 0 : index
    %get3A_38 = vector.load %arg4[%get3A_36, %get3A_37] : memref<128x1xf32, #tpu.memory_space<vmem>>, vector<128x1xf32>
    %dot_general3A_39 = arith.constant dense<0.000000e+00> : vector<128x1xf32>
    %dot_general3A_40 = tpu.matmul %select_n3A, %broadcast_in_dim3A_29, %dot_general3A_39 {dimension_numbers = #tpu.dot_dimension_numbers<[1], [0], [0], [1], [0, 0, 1, 1], [], []>, transpose_lhs_hint = false} : vector<128x2048xbf16>, vector<2048x1xbf16>, vector<128x1xf32> -> vector<128x1xf32>
    %add3A_41 = arith.addf %get3A_38, %dot_general3A_40 : vector<128x1xf32>
    %swap3A_42 = arith.constant 0 : index
    %swap3A_43 = arith.constant 0 : index
    %swap3A_44 = vector.load %arg4[%swap3A_42, %swap3A_43] : memref<128x1xf32, #tpu.memory_space<vmem>>, vector<128x1xf32>
    tpu.vector_store %arg4[%swap3A_42, %swap3A_43], %add3A_41 {strides = array<i32>} : memref<128x1xf32, #tpu.memory_space<vmem>>, vector<128x1xf32>,
    %get3A_45 = arith.constant 0 : index
    %get3A_46 = arith.constant 0 : index
    %get3A_47 = vector.load %arg5[%get3A_45, %get3A_46] : memref<128x1xf32, #tpu.memory_space<vmem>>, vector<128x1xf32>
    %dot_general3A_48 = arith.constant dense<0.000000e+00> : vector<128x1xf32>
    %dot_general3A_49 = tpu.matmul %select_n3A_21, %broadcast_in_dim3A_29, %dot_general3A_48 {dimension_numbers = #tpu.dot_dimension_numbers<[1], [0], [0], [1], [0, 0, 1, 1], [], []>, transpose_lhs_hint = false} : vector<128x2048xbf16>, vector<2048x1xbf16>, vector<128x1xf32> -> vector<128x1xf32>
    %add3A_50 = arith.addf %get3A_47, %dot_general3A_49 : vector<128x1xf32>
    %swap3A_51 = arith.constant 0 : index
    %swap3A_52 = arith.constant 0 : index
    %swap3A_53 = vector.load %arg5[%swap3A_51, %swap3A_52] : memref<128x1xf32, #tpu.memory_space<vmem>>, vector<128x1xf32>
    tpu.vector_store %arg5[%swap3A_51, %swap3A_52], %add3A_50 {strides = array<i32>} : memref<128x1xf32, #tpu.memory_space<vmem>>, vector<128x1xf32>,
    %get3A_54 = arith.constant 0 : index
    %get3A_55 = arith.constant 0 : index
    %get3A_56 = vector.load %arg6[%get3A_54, %get3A_55] : memref<128x1xf32, #tpu.memory_space<vmem>>, vector<128x1xf32>
    %dot_general3A_57 = arith.constant dense<0.000000e+00> : vector<128x1xf32>
    %dot_general3A_58 = tpu.matmul %select_n3A_27, %broadcast_in_dim3A_29, %dot_general3A_57 {dimension_numbers = #tpu.dot_dimension_numbers<[1], [0], [0], [1], [0, 0, 1, 1], [], []>, transpose_lhs_hint = false} : vector<128x2048xbf16>, vector<2048x1xbf16>, vector<128x1xf32> -> vector<128x1xf32>
    %add3A_59 = arith.addf %get3A_56, %dot_general3A_58 : vector<128x1xf32>
    %swap3A_60 = arith.constant 0 : index
    %swap3A_61 = arith.constant 0 : index
    %swap3A_62 = vector.load %arg6[%swap3A_60, %swap3A_61] : memref<128x1xf32, #tpu.memory_space<vmem>>, vector<128x1xf32>
    tpu.vector_store %arg6[%swap3A_60, %swap3A_61], %add3A_59 {strides = array<i32>} : memref<128x1xf32, #tpu.memory_space<vmem>>, vector<128x1xf32>,
    return
  }
  func.func @transform_0(%arg0: i32) -> (i32, i32, i32) {
    %c0_i32 = arith.constant 0 : i32
    %c0_i32_0 = arith.constant 0 : i32
    %c0_i32_1 = arith.constant 0 : i32
    return %arg0, %c0_i32, %c0_i32_0 : i32, i32, i32
  }
  func.func @transform_1(%arg0: i32) -> (i32, i32) {
    %c0_i32 = arith.constant 0 : i32
    %c0_i32_0 = arith.constant 0 : i32
    return %arg0, %c0_i32 : i32, i32
  }
  func.func @transform_2(%arg0: i32) -> (i32, i32) {
    %c0_i32 = arith.constant 0 : i32
    %c0_i32_0 = arith.constant 0 : i32
    %c0_i32_1 = arith.constant 0 : i32
    return %c0_i32, %c0_i32_0 : i32, i32
  }
  func.func @transform_3(%arg0: i32) -> (i32, i32) {
    %c0_i32 = arith.constant 0 : i32
    %c0_i32_0 = arith.constant 0 : i32
    %c0_i32_1 = arith.constant 0 : i32
    return %c0_i32, %c0_i32_0 : i32, i32
  }
  func.func @transform_4(%arg0: i32) -> (i32, i32) {
    %c0_i32 = arith.constant 0 : i32
    %c0_i32_0 = arith.constant 0 : i32
    %c0_i32_1 = arith.constant 0 : i32
    return %c0_i32, %c0_i32_0 : i32, i32
  }
  func.func @transform_5(%arg0: i32) -> (i32, i32) {
    %c0_i32 = arith.constant 0 : i32
    %c0_i32_0 = arith.constant 0 : i32
    %c0_i32_1 = arith.constant 0 : i32
    return %c0_i32, %c0_i32_0 : i32, i32
  }
}

module attributes {stable_mosaic.version = 14 : i64} {
  func.func @_tc_edge_body(%arg0: i32, %arg1: memref<1x1x8000xi32, #tpu.memory_space<vmem>>, %arg2: memref<1x1x8000xf32, #tpu.memory_space<vmem>>, %arg3: memref<8000x256xf32, #tpu.memory_space<vmem>>, %arg4: memref<128x256xf32, #tpu.memory_space<vmem>>, %arg5: memref<256x768xf32, #tpu.memory_space<vmem>>, %arg6: memref<256x256xf32, #tpu.memory_space<vmem>>, %arg7: memref<256x256xf32, #tpu.memory_space<vmem>>, %arg8: memref<16x256xf32, #tpu.memory_space<vmem>>, %arg9: memref<128x256xf32, #tpu.memory_space<vmem>>, %arg10: memref<128x1xf32, #tpu.memory_space<vmem>>, %arg11: memref<128x1xf32, #tpu.memory_space<vmem>>, %arg12: memref<128x1xf32, #tpu.memory_space<vmem>>, %arg13: memref<128x256xf32, #tpu.memory_space<vmem>>, %arg14: memref<128x256xf32, #tpu.memory_space<vmem>>) attributes {dimension_semantics = [#tpu.dimension_semantics<arbitrary>], iteration_bounds = array<i64: 20>, scalar_prefetch = 0 : i64, scratch_operands = 1 : i64, tpu.core_type = #tpu.core_type<tc>, window_params = [{transform_indices = @transform_0, window_bounds = array<i64: 1, 1, 8000>}, {transform_indices = @transform_1, window_bounds = array<i64: 1, 1, 8000>}, {transform_indices = @transform_2, window_bounds = array<i64: 8000, 256>}, {pipeline_mode = #tpu.pipeline_mode<synchronous>, transform_indices = @transform_3, window_bounds = array<i64: 128, 256>}, {pipeline_mode = #tpu.pipeline_mode<synchronous>, transform_indices = @transform_4, window_bounds = array<i64: 256, 768>}, {pipeline_mode = #tpu.pipeline_mode<synchronous>, transform_indices = @transform_5, window_bounds = array<i64: 256, 256>}, {pipeline_mode = #tpu.pipeline_mode<synchronous>, transform_indices = @transform_6, window_bounds = array<i64: 256, 256>}, {pipeline_mode = #tpu.pipeline_mode<synchronous>, transform_indices = @transform_7, window_bounds = array<i64: 16, 256>}, {pipeline_mode = #tpu.pipeline_mode<synchronous>, transform_indices = @transform_8, window_bounds = array<i64: 128, 256>}, {pipeline_mode = #tpu.pipeline_mode<synchronous>, transform_indices = @transform_9, window_bounds = array<i64: 128, 1>}, {pipeline_mode = #tpu.pipeline_mode<synchronous>, transform_indices = @transform_10, window_bounds = array<i64: 128, 1>}, {pipeline_mode = #tpu.pipeline_mode<synchronous>, transform_indices = @transform_11, window_bounds = array<i64: 128, 1>}, {pipeline_mode = #tpu.pipeline_mode<synchronous>, transform_indices = @transform_12, window_bounds = array<i64: 128, 256>}]} {
    %eq3A = arith.constant 0 : i32
    %eq3A_0 = arith.cmpi eq, %arg0, %eq3A : i32
    %convert_element_type3A = arith.extui %eq3A_0 : i1 to i32
    %cond3A = arith.constant 0 : i32
    %cond3A_1 = arith.cmpi ne, %convert_element_type3A, %cond3A : i32
    scf.if %cond3A_1 {
      %broadcast_in_dim3A_40 = arith.constant 0.000000e+00 : f32
      %broadcast_in_dim3A_41 = vector.broadcast %broadcast_in_dim3A_40 : f32 to vector<128x256xf32>
      %swap3A_42 = arith.constant 0 : index
      %swap3A_43 = arith.constant 0 : index
      %swap3A_44 = vector.load %arg14[%swap3A_42, %swap3A_43] : memref<128x256xf32, #tpu.memory_space<vmem>>, vector<128x256xf32>
      tpu.vector_store %arg14[%swap3A_42, %swap3A_43], %broadcast_in_dim3A_41 {strides = array<i32>} : memref<128x256xf32, #tpu.memory_space<vmem>>, vector<128x256xf32>,
    } else {
    }
    %get3A = arith.constant 0 : index
    %get3A_2 = arith.constant 0 : index
    %get3A_3 = arith.constant 0 : index
    %get3A_4 = vector.load %arg1[%get3A, %get3A_2, %get3A_3] : memref<1x1x8000xi32, #tpu.memory_space<vmem>>, vector<1x1x8000xi32>
    %get3A_5 = vector.shape_cast %get3A_4 : vector<1x1x8000xi32> to vector<1x8000xi32>
    %convert_element_type3A_6 = arith.sitofp %get3A_5 : vector<1x8000xi32> to vector<1x8000xf32>
    %get3A_7 = arith.constant 0 : index
    %get3A_8 = arith.constant 0 : index
    %get3A_9 = arith.constant 0 : index
    %get3A_10 = vector.load %arg2[%get3A_7, %get3A_8, %get3A_9] : memref<1x1x8000xf32, #tpu.memory_space<vmem>>, vector<1x1x8000xf32>
    %get3A_11 = vector.shape_cast %get3A_10 : vector<1x1x8000xf32> to vector<1x8000xf32>
    %get3A_12 = arith.constant 0 : index
    %get3A_13 = arith.constant 0 : index
    %get3A_14 = vector.load %arg3[%get3A_12, %get3A_13] : memref<8000x256xf32, #tpu.memory_space<vmem>>, vector<8000x256xf32>
    %convert_element_type3A_15 = arith.truncf %get3A_14 : vector<8000x256xf32> to vector<8000x256xbf16>
    %get3A_16 = arith.constant 0 : index
    %get3A_17 = arith.constant 0 : index
    %get3A_18 = vector.load %arg11[%get3A_16, %get3A_17] : memref<128x1xf32, #tpu.memory_space<vmem>>, vector<128x1xf32>
    %ge3A = vector.broadcast %convert_element_type3A_6 : vector<1x8000xf32> to vector<128x8000xf32>
    %ge3A_19 = vector.broadcast %get3A_18 : vector<128x1xf32> to vector<128x8000xf32>
    %ge3A_20 = arith.cmpf oge, %ge3A, %ge3A_19 : vector<128x8000xf32>
    %get3A_21 = arith.constant 0 : index
    %get3A_22 = arith.constant 0 : index
    %get3A_23 = vector.load %arg12[%get3A_21, %get3A_22] : memref<128x1xf32, #tpu.memory_space<vmem>>, vector<128x1xf32>
    %lt3A = vector.broadcast %convert_element_type3A_6 : vector<1x8000xf32> to vector<128x8000xf32>
    %lt3A_24 = vector.broadcast %get3A_23 : vector<128x1xf32> to vector<128x8000xf32>
    %lt3A_25 = arith.cmpf olt, %lt3A, %lt3A_24 : vector<128x8000xf32>
    %and3A = arith.andi %ge3A_20, %lt3A_25 : vector<128x8000xi1>
    %jit3A = arith.constant 0.000000e+00 : f32
    %broadcast_in_dim3A = vector.shape_cast %get3A_11 : vector<1x8000xf32> to vector<1x8000xf32>
    %broadcast_in_dim3A_26 = vector.broadcast %broadcast_in_dim3A : vector<1x8000xf32> to vector<128x8000xf32>
    %broadcast_in_dim3A_27 = vector.broadcast %jit3A : f32 to vector<128x8000xf32>
    %select_n3A = arith.select %and3A, %broadcast_in_dim3A_26, %broadcast_in_dim3A_27 : vector<128x8000xi1>, vector<128x8000xf32>
    %convert_element_type3A_28 = arith.truncf %select_n3A : vector<128x8000xf32> to vector<128x8000xbf16>
    %get3A_29 = arith.constant 0 : index
    %get3A_30 = arith.constant 0 : index
    %get3A_31 = vector.load %arg14[%get3A_29, %get3A_30] : memref<128x256xf32, #tpu.memory_space<vmem>>, vector<128x256xf32>
    %dot_general3A = arith.constant dense<0.000000e+00> : vector<128x256xf32>
    %dot_general3A_32 = tpu.matmul %convert_element_type3A_28, %convert_element_type3A_15, %dot_general3A {dimension_numbers = #tpu.dot_dimension_numbers<[1], [0], [0], [1], [0, 0, 1, 1], [], []>, transpose_lhs_hint = false} : vector<128x8000xbf16>, vector<8000x256xbf16>, vector<128x256xf32> -> vector<128x256xf32>
    %add3A = arith.addf %get3A_31, %dot_general3A_32 : vector<128x256xf32>
    %swap3A = arith.constant 0 : index
    %swap3A_33 = arith.constant 0 : index
    %swap3A_34 = vector.load %arg14[%swap3A, %swap3A_33] : memref<128x256xf32, #tpu.memory_space<vmem>>, vector<128x256xf32>
    tpu.vector_store %arg14[%swap3A, %swap3A_33], %add3A {strides = array<i32>} : memref<128x256xf32, #tpu.memory_space<vmem>>, vector<128x256xf32>,
    %eq3A_35 = arith.constant 19 : i32
    %eq3A_36 = arith.cmpi eq, %arg0, %eq3A_35 : i32
    %convert_element_type3A_37 = arith.extui %eq3A_36 : i1 to i32
    %cond3A_38 = arith.constant 0 : i32
    %cond3A_39 = arith.cmpi ne, %convert_element_type3A_37, %cond3A_38 : i32
    scf.if %cond3A_39 {
      %get3A_40 = arith.constant 0 : index
      %get3A_41 = arith.constant 0 : index
      %get3A_42 = vector.load %arg10[%get3A_40, %get3A_41] : memref<128x1xf32, #tpu.memory_space<vmem>>, vector<128x1xf32>
      %max3A = arith.constant 1.000000e+00 : f32
      %max3A_43 = vector.broadcast %max3A : f32 to vector<128x1xf32>
      %max3A_44 = arith.maximumf %get3A_42, %max3A_43 : vector<128x1xf32>
      %div3A = arith.constant 1.000000e+00 : f32
      %div3A_45 = vector.broadcast %div3A : f32 to vector<128x1xf32>
      %div3A_46 = arith.divf %div3A_45, %max3A_44 : vector<128x1xf32>
      %get3A_47 = arith.constant 0 : index
      %get3A_48 = arith.constant 0 : index
      %get3A_49 = vector.load %arg14[%get3A_47, %get3A_48] : memref<128x256xf32, #tpu.memory_space<vmem>>, vector<128x256xf32>
      %mul3A = vector.broadcast %div3A_46 : vector<128x1xf32> to vector<128x256xf32>
      %mul3A_50 = arith.mulf %get3A_49, %mul3A : vector<128x256xf32>
      %get3A_51 = arith.constant 0 : index
      %get3A_52 = arith.constant 0 : index
      %get3A_53 = vector.load %arg9[%get3A_51, %get3A_52] : memref<128x256xf32, #tpu.memory_space<vmem>>, vector<128x256xf32>
      %mul3A_54 = vector.broadcast %div3A_46 : vector<128x1xf32> to vector<128x256xf32>
      %mul3A_55 = arith.mulf %get3A_53, %mul3A_54 : vector<128x256xf32>
      %get3A_56 = arith.constant 0 : index
      %get3A_57 = arith.constant 0 : index
      %get3A_58 = vector.load %arg8[%get3A_56, %get3A_57] : memref<16x256xf32, #tpu.memory_space<vmem>>, vector<16x256xf32>
      %get3A_59 = arith.constant 0 : index
      %get3A_60 = arith.constant 0 : index
      %get3A_61 = vector.load %arg5[%get3A_59, %get3A_60] : memref<256x768xf32, #tpu.memory_space<vmem>>, vector<256x256xf32>
      %dot_general3A_62 = arith.constant dense<0.000000e+00> : vector<128x256xf32>
      %dot_general3A_63 = tpu.matmul %mul3A_50, %get3A_61, %dot_general3A_62 {dimension_numbers = #tpu.dot_dimension_numbers<[1], [1], [0], [0], [0, 0, 1, 0], [], []>, transpose_lhs_hint = false} : vector<128x256xf32>, vector<256x256xf32>, vector<128x256xf32> -> vector<128x256xf32>
      %get3A_64 = arith.constant 0 : index
      %get3A_65 = arith.constant 256 : index
      %get3A_66 = vector.load %arg5[%get3A_64, %get3A_65] : memref<256x768xf32, #tpu.memory_space<vmem>>, vector<256x256xf32>
      %dot_general3A_67 = arith.constant dense<0.000000e+00> : vector<128x256xf32>
      %dot_general3A_68 = tpu.matmul %mul3A_55, %get3A_66, %dot_general3A_67 {dimension_numbers = #tpu.dot_dimension_numbers<[1], [1], [0], [0], [0, 0, 1, 0], [], []>, transpose_lhs_hint = false} : vector<128x256xf32>, vector<256x256xf32>, vector<128x256xf32> -> vector<128x256xf32>
      %add3A_69 = arith.addf %dot_general3A_63, %dot_general3A_68 : vector<128x256xf32>
      %get3A_70 = arith.constant 0 : index
      %get3A_71 = arith.constant 0 : index
      %get3A_72 = vector.load %arg4[%get3A_70, %get3A_71] : memref<128x256xf32, #tpu.memory_space<vmem>>, vector<128x256xf32>
      %get3A_73 = arith.constant 0 : index
      %get3A_74 = arith.constant 512 : index
      %get3A_75 = vector.load %arg5[%get3A_73, %get3A_74] : memref<256x768xf32, #tpu.memory_space<vmem>>, vector<256x256xf32>
      %dot_general3A_76 = arith.constant dense<0.000000e+00> : vector<128x256xf32>
      %dot_general3A_77 = tpu.matmul %get3A_72, %get3A_75, %dot_general3A_76 {dimension_numbers = #tpu.dot_dimension_numbers<[1], [1], [0], [0], [0, 0, 1, 0], [], []>, transpose_lhs_hint = false} : vector<128x256xf32>, vector<256x256xf32>, vector<128x256xf32> -> vector<128x256xf32>
      %add3A_78 = arith.addf %add3A_69, %dot_general3A_77 : vector<128x256xf32>
      %slice3A = vector.extract_strided_slice %get3A_58 {offsets = [0, 0], sizes = [1, 256], strides = [1, 1]} : vector<16x256xf32> to vector<1x256xf32>
      %add3A_79 = vector.broadcast %slice3A : vector<1x256xf32> to vector<128x256xf32>
      %add3A_80 = arith.addf %add3A_78, %add3A_79 : vector<128x256xf32>
      %max3A_81 = arith.constant 0.000000e+00 : f32
      %max3A_82 = vector.broadcast %max3A_81 : f32 to vector<128x256xf32>
      %max3A_83 = arith.maximumf %add3A_80, %max3A_82 : vector<128x256xf32>
      %slice3A_84 = vector.extract_strided_slice %get3A_58 {offsets = [1, 0], sizes = [1, 256], strides = [1, 1]} : vector<16x256xf32> to vector<1x256xf32>
      %mul3A_85 = vector.broadcast %slice3A_84 : vector<1x256xf32> to vector<128x256xf32>
      %mul3A_86 = arith.mulf %max3A_83, %mul3A_85 : vector<128x256xf32>
      %slice3A_87 = vector.extract_strided_slice %get3A_58 {offsets = [2, 0], sizes = [1, 256], strides = [1, 1]} : vector<16x256xf32> to vector<1x256xf32>
      %add3A_88 = vector.broadcast %slice3A_87 : vector<1x256xf32> to vector<128x256xf32>
      %add3A_89 = arith.addf %mul3A_86, %add3A_88 : vector<128x256xf32>
      %get3A_90 = arith.constant 0 : index
      %get3A_91 = arith.constant 0 : index
      %get3A_92 = vector.load %arg6[%get3A_90, %get3A_91] : memref<256x256xf32, #tpu.memory_space<vmem>>, vector<256x256xf32>
      %dot_general3A_93 = arith.constant dense<0.000000e+00> : vector<128x256xf32>
      %dot_general3A_94 = tpu.matmul %add3A_89, %get3A_92, %dot_general3A_93 {dimension_numbers = #tpu.dot_dimension_numbers<[1], [1], [0], [0], [0, 0, 1, 0], [], []>, transpose_lhs_hint = false} : vector<128x256xf32>, vector<256x256xf32>, vector<128x256xf32> -> vector<128x256xf32>
      %slice3A_95 = vector.extract_strided_slice %get3A_58 {offsets = [3, 0], sizes = [1, 256], strides = [1, 1]} : vector<16x256xf32> to vector<1x256xf32>
      %add3A_96 = vector.broadcast %slice3A_95 : vector<1x256xf32> to vector<128x256xf32>
      %add3A_97 = arith.addf %dot_general3A_94, %add3A_96 : vector<128x256xf32>
      %max3A_98 = arith.constant 0.000000e+00 : f32
      %max3A_99 = vector.broadcast %max3A_98 : f32 to vector<128x256xf32>
      %max3A_100 = arith.maximumf %add3A_97, %max3A_99 : vector<128x256xf32>
      %slice3A_101 = vector.extract_strided_slice %get3A_58 {offsets = [4, 0], sizes = [1, 256], strides = [1, 1]} : vector<16x256xf32> to vector<1x256xf32>
      %mul3A_102 = vector.broadcast %slice3A_101 : vector<1x256xf32> to vector<128x256xf32>
      %mul3A_103 = arith.mulf %max3A_100, %mul3A_102 : vector<128x256xf32>
      %slice3A_104 = vector.extract_strided_slice %get3A_58 {offsets = [5, 0], sizes = [1, 256], strides = [1, 1]} : vector<16x256xf32> to vector<1x256xf32>
      %add3A_105 = vector.broadcast %slice3A_104 : vector<1x256xf32> to vector<128x256xf32>
      %add3A_106 = arith.addf %mul3A_103, %add3A_105 : vector<128x256xf32>
      %get3A_107 = arith.constant 0 : index
      %get3A_108 = arith.constant 0 : index
      %get3A_109 = vector.load %arg7[%get3A_107, %get3A_108] : memref<256x256xf32, #tpu.memory_space<vmem>>, vector<256x256xf32>
      %dot_general3A_110 = arith.constant dense<0.000000e+00> : vector<128x256xf32>
      %dot_general3A_111 = tpu.matmul %add3A_106, %get3A_109, %dot_general3A_110 {dimension_numbers = #tpu.dot_dimension_numbers<[1], [1], [0], [0], [0, 0, 1, 0], [], []>, transpose_lhs_hint = false} : vector<128x256xf32>, vector<256x256xf32>, vector<128x256xf32> -> vector<128x256xf32>
      %slice3A_112 = vector.extract_strided_slice %get3A_58 {offsets = [6, 0], sizes = [1, 256], strides = [1, 1]} : vector<16x256xf32> to vector<1x256xf32>
      %add3A_113 = vector.broadcast %slice3A_112 : vector<1x256xf32> to vector<128x256xf32>
      %add3A_114 = arith.addf %dot_general3A_111, %add3A_113 : vector<128x256xf32>
      %max3A_115 = arith.constant 0.000000e+00 : f32
      %max3A_116 = vector.broadcast %max3A_115 : f32 to vector<128x256xf32>
      %max3A_117 = arith.maximumf %add3A_114, %max3A_116 : vector<128x256xf32>
      %slice3A_118 = vector.extract_strided_slice %get3A_58 {offsets = [7, 0], sizes = [1, 256], strides = [1, 1]} : vector<16x256xf32> to vector<1x256xf32>
      %mul3A_119 = vector.broadcast %slice3A_118 : vector<1x256xf32> to vector<128x256xf32>
      %mul3A_120 = arith.mulf %max3A_117, %mul3A_119 : vector<128x256xf32>
      %slice3A_121 = vector.extract_strided_slice %get3A_58 {offsets = [8, 0], sizes = [1, 256], strides = [1, 1]} : vector<16x256xf32> to vector<1x256xf32>
      %add3A_122 = vector.broadcast %slice3A_121 : vector<1x256xf32> to vector<128x256xf32>
      %add3A_123 = arith.addf %mul3A_120, %add3A_122 : vector<128x256xf32>
      %swap3A_124 = arith.constant 0 : index
      %swap3A_125 = arith.constant 0 : index
      %swap3A_126 = vector.load %arg13[%swap3A_124, %swap3A_125] : memref<128x256xf32, #tpu.memory_space<vmem>>, vector<128x256xf32>
      tpu.vector_store %arg13[%swap3A_124, %swap3A_125], %add3A_123 {strides = array<i32>} : memref<128x256xf32, #tpu.memory_space<vmem>>, vector<128x256xf32>,
    } else {
    }
    return
  }
  func.func @transform_0(%arg0: i32) -> (i32, i32, i32) {
    %c0_i32 = arith.constant 0 : i32
    %c0_i32_0 = arith.constant 0 : i32
    %c0_i32_1 = arith.constant 0 : i32
    return %arg0, %c0_i32, %c0_i32_0 : i32, i32, i32
  }
  func.func @transform_1(%arg0: i32) -> (i32, i32, i32) {
    %c0_i32 = arith.constant 0 : i32
    %c0_i32_0 = arith.constant 0 : i32
    %c0_i32_1 = arith.constant 0 : i32
    return %arg0, %c0_i32, %c0_i32_0 : i32, i32, i32
  }
  func.func @transform_2(%arg0: i32) -> (i32, i32) {
    %c0_i32 = arith.constant 0 : i32
    %c0_i32_0 = arith.constant 0 : i32
    return %arg0, %c0_i32 : i32, i32
  }
  func.func @transform_3(%arg0: i32) -> (i32, i32) {
    %c0_i32 = arith.constant 0 : i32
    %c0_i32_0 = arith.constant 0 : i32
    %c0_i32_1 = arith.constant 0 : i32
    return %c0_i32, %c0_i32_0 : i32, i32
  }
  func.func @transform_4(%arg0: i32) -> (i32, i32) {
    %c0_i32 = arith.constant 0 : i32
    %c0_i32_0 = arith.constant 0 : i32
    %c0_i32_1 = arith.constant 0 : i32
    return %c0_i32, %c0_i32_0 : i32, i32
  }
  func.func @transform_5(%arg0: i32) -> (i32, i32) {
    %c0_i32 = arith.constant 0 : i32
    %c0_i32_0 = arith.constant 0 : i32
    %c0_i32_1 = arith.constant 0 : i32
    return %c0_i32, %c0_i32_0 : i32, i32
  }
  func.func @transform_6(%arg0: i32) -> (i32, i32) {
    %c0_i32 = arith.constant 0 : i32
    %c0_i32_0 = arith.constant 0 : i32
    %c0_i32_1 = arith.constant 0 : i32
    return %c0_i32, %c0_i32_0 : i32, i32
  }
  func.func @transform_7(%arg0: i32) -> (i32, i32) {
    %c0_i32 = arith.constant 0 : i32
    %c0_i32_0 = arith.constant 0 : i32
    %c0_i32_1 = arith.constant 0 : i32
    return %c0_i32, %c0_i32_0 : i32, i32
  }
  func.func @transform_8(%arg0: i32) -> (i32, i32) {
    %c0_i32 = arith.constant 0 : i32
    %c0_i32_0 = arith.constant 0 : i32
    %c0_i32_1 = arith.constant 0 : i32
    return %c0_i32, %c0_i32_0 : i32, i32
  }
  func.func @transform_9(%arg0: i32) -> (i32, i32) {
    %c0_i32 = arith.constant 0 : i32
    %c0_i32_0 = arith.constant 0 : i32
    %c0_i32_1 = arith.constant 0 : i32
    return %c0_i32, %c0_i32_0 : i32, i32
  }
  func.func @transform_10(%arg0: i32) -> (i32, i32) {
    %c0_i32 = arith.constant 0 : i32
    %c0_i32_0 = arith.constant 0 : i32
    %c0_i32_1 = arith.constant 0 : i32
    return %c0_i32, %c0_i32_0 : i32, i32
  }
  func.func @transform_11(%arg0: i32) -> (i32, i32) {
    %c0_i32 = arith.constant 0 : i32
    %c0_i32_0 = arith.constant 0 : i32
    %c0_i32_1 = arith.constant 0 : i32
    return %c0_i32, %c0_i32_0 : i32, i32
  }
  func.func @transform_12(%arg0: i32) -> (i32, i32) {
    %c0_i32 = arith.constant 0 : i32
    %c0_i32_0 = arith.constant 0 : i32
    %c0_i32_1 = arith.constant 0 : i32
    return %c0_i32, %c0_i32_0 : i32, i32
  }
}

</mosaic_0001>

<sc_bundles>
// kernel: kernel.5.cloned.1.call-start
scs
__scs_entry_jumppad:
0x0: {  	(pc) =	sbr.rel $0x88, $3  }
0x1: {  	(tag) =	ssettag $0x0;
	lr =	simm.s32 $0x1  }
0x2: {  	[smem:$0x3F90] =	sst lr;
	_ =	strace $0xD0000000  }
0x3: {  	_ = 	snop  }
0x4: {  	_ = 	snop  }
0x5: {  	_ = 	snop  }
0x6: {  	_ = 	snop  }
0x7: {  	_ = 	snop  }
__scs_overlays_trampoline_lowered:
0x8: {  	[smem:$0x3F9F] =	sst s0  }
0x9: {  	[smem:$0x3FA0] =	sst s1  }
0xa: {  	[smem:$0x3FA1] =	sst s2  }
0xb: {  	[smem:$0x3FA2] =	sst s3  }
0xc: {  	[smem:$0x3FA3] =	sst s4  }
0xd: {  	[smem:$0x3FA4] =	sst s5  }
0xe: {  	[smem:$0x3FA5] =	sst s6  }
0xf: {  	[smem:$0x3FA6] =	sst s7  }
0x10: {  	[smem:$0x3FA7] =	sst s8  }
0x11: {  	[smem:$0x3FA8] =	sst s9;
	s0 =	simm.s32 @!p0 $0x0  }
0x12: {  	s1 =	sld [smem:$0x3F8E];
	s0 =	simm.s32 @p0 $0x1  }
0x13: {  	[smem:$0x3FA9] =	sst s0;
	s0 =	simm.s32 @!p1 $0x0  }
0x14: {  	s2 =	sld [smem:$0x3F8D];
	s0 =	simm.s32 @p1 $0x1  }
0x15: {  	[smem:$0x3FAA] =	sst s0;
	s0 =	simm.s32 @!p2 $0x0  }
0x16: {  	s3 =	sld [smem:$0x3FDB];
	s0 =	simm.s32 @p2 $0x1  }
0x17: {  	s4 =	simm.s32 $0x1BF5;
	[smem:$0x3FAC] =	sst s0  }
0x18: {  	s0 =	sld [smem:$0x3F8F];
	_ =	swait.ge [sflag:s4], $0x0  }
0x19: {  	s7 =	sld [smem:$0x3F90]  }
0x1a: {  	s8 =	sadd.s32 $0xFFFFE003, lr  }
0x1b: {  	s9 =	sadd.s32 $0xFFFFFEF7, lr;
	s5 =	simm.s32 $0xFFFFFFFF;
	p2 =	slt.u32 s8, $0xFFFFF086  }
0x1c: {  	p1 =	slt.u32 s9, $0xF7A;
	s5 =	simm.s32 @!p2 $0x0  }
0x1d: {  	s5 =	simm.s32 @p1 $0x1;
	p0 =	seq.s32 s7, s2  }
0x1e: {  	s7 =	smul.u32 @!p0 $0xF7A, s2;
	p2 =	seq.s32 @!p0 s5, $0x0  }
0x1f: {  	s9 =	smul.u32 $0xF7A, s1;
	s8 =	simm.s32 @!p0 $0x1BF5;
	p2 =	por !p2, p0  }
0x20: {  	[sflag:s8] =	ssyncset.s32 @!p0 $0xFFFFF086;
	s6 =	sadd.s32 @!p0 s3, s7;
	s7 =	simm.s32 @!p0 $0x108  }
0x21: {  	s3 =	sadd.s32 s3, s9;
	s6 =	sadd.s32 @!p0 $0x88, s6;
	s7 =	simm.s32 @p2 $0x1082  }
0x22: {  	[simem:s7], [sflag:s8] =	dma.local @!p0 [hbm:s6], $0xF7A  }
0x23: {  	s9 =	sor.u32 $0xD0000000, s2;
	s6 =	simm.s32 $0x108;
	_ =	swait.ge @!p0 [sflag:s8], $0x0  }
0x24: {  	s3 =	sadd.s32 $0x88, s3;
	s6 =	simm.s32 @!p1 $0x1082;
	[sflag:s4] =	ssyncset.s32 $0xFFFFF086  }
0x25: {  	[simem:s6], [sflag:s4] =	dma.local [hbm:s3], $0xF7A  }
0x26: {  	[smem:$0x3F90] =	sst s1;
	(tag) =	ssettag s2;
	_ =	strace s9  }
0x27: {  	s1 =	sld [smem:$0x3FA0]  }
0x28: {  	s2 =	sld [smem:$0x3FA1]  }
0x29: {  	s4 =	sld [smem:$0x3FA3]  }
0x2a: {  	p0 =	seq.s32 s5, $0x0;
	s5 =	sld [smem:$0x3FA4]  }
0x2b: {  	s6 =	sld [smem:$0x3FA5]  }
0x2c: {  	s7 =	sld [smem:$0x3FA6]  }
0x2d: {  	s3 =	simm.s32 $0x108;
	s8 =	sld [smem:$0x3FA7]  }
0x2e: {  	s3 =	simm.s32 @!p0 $0x1082;
	s9 =	sld [smem:$0x3FA8]  }
0x2f: {  	lr =	sadd.s32 s0, s3;
	s0 =	sld [smem:$0x3F9F]  }
0x30: {  	s3 =	sld [smem:$0x3FA2]  }
0x31: {  	[smem:$0x3FAB] =	sst s10  }
0x32: {  	s10 =	sld [smem:$0x3FA9];
	_ =	sdelay $0x3  }
0x33: {  	p0 =	seq.s32 s10, $0x1;
	s10 =	sld [smem:$0x3FAB];
	_ =	sdelay $0x3  }
0x34: {  	[smem:$0x3FAB] =	sst s10  }
0x35: {  	s10 =	sld [smem:$0x3FAA];
	_ =	sdelay $0x3  }
0x36: {  	p1 =	seq.s32 s10, $0x1;
	s10 =	sld [smem:$0x3FAB];
	_ =	sdelay $0x3  }
0x37: {  	[smem:$0x3FAB] =	sst s10  }
0x38: {  	s10 =	sld [smem:$0x3FAC]  }
0x39: {  	_ = 	snop;
	(pc) =	sbr.ind lr, $3  }
0x3a: {  	_ = 	snop  }
0x3b: {  	_ = 	snop  }
0x3c: {  	p2 =	seq.s32 s10, $0x1;
	s10 =	sld [smem:$0x3FAB]  }
0x3d: {  	_ =	shalt  }
0x3e: {  	_ =	shalt  }
0x3f: {  	_ =	shalt  }
0x40: {  	_ =	shalt  }
0x41: {  	_ =	shalt  }
0x42: {  	_ =	shalt  }
0x43: {  	_ =	shalt  }
0x44: {  	_ =	shalt  }
0x45: {  	_ =	shalt  }
0x46: {  	_ =	shalt  }
0x47: {  	_ =	shalt  }
0x48: {  	_ =	shalt  }
0x49: {  	_ =	shalt  }
0x4a: {  	_ =	shalt  }
0x4b: {  	_ =	shalt  }
0x4c: {  	_ =	shalt  }
0x4d: {  	_ =	shalt  }
0x4e: {  	_ =	shalt  }
0x4f: {  	_ =	shalt  }
0x50: {  	_ =	shalt  }
0x51: {  	_ =	shalt  }
0x52: {  	_ =	shalt  }
0x53: {  	_ =	shalt  }
0x54: {  	_ =	shalt  }
0x55: {  	_ =	shalt  }
0x56: {  	_ =	shalt  }
0x57: {  	_ =	shalt  }
0x58: {  	_ =	shalt  }
0x59: {  	_ =	shalt  }
0x5a: {  	_ =	shalt  }
0x5b: {  	_ =	shalt  }
0x5c: {  	_ =	shalt  }
0x5d: {  	_ =	shalt  }
0x5e: {  	_ =	shalt  }
0x5f: {  	_ =	shalt  }
0x60: {  	_ =	shalt  }
0x61: {  	_ =	shalt  }
0x62: {  	_ =	shalt  }
0x63: {  	_ =	shalt  }
0x64: {  	_ =	shalt  }
0x65: {  	_ =	shalt  }
0x66: {  	_ =	shalt  }
0x67: {  	_ =	shalt  }
0x68: {  	_ =	shalt  }
0x69: {  	_ =	shalt  }
0x6a: {  	_ =	shalt  }
0x6b: {  	_ =	shalt  }
0x6c: {  	_ =	shalt  }
0x6d: {  	_ =	shalt  }
0x6e: {  	_ =	shalt  }
0x6f: {  	_ =	shalt  }
0x70: {  	_ =	shalt  }
0x71: {  	_ =	shalt  }
0x72: {  	_ =	shalt  }
0x73: {  	_ =	shalt  }
0x74: {  	_ =	shalt  }
0x75: {  	_ =	shalt  }
0x76: {  	_ =	shalt  }
0x77: {  	_ =	shalt  }
0x78: {  	_ =	shalt  }
0x79: {  	_ =	shalt  }
0x7a: {  	_ =	shalt  }
0x7b: {  	_ =	shalt  }
0x7c: {  	_ =	shalt  }
0x7d: {  	_ =	shalt  }
0x7e: {  	_ =	shalt  }
0x7f: {  	_ =	shalt  }
0x80: {  	_ =	shalt  }
0x81: {  	_ =	shalt  }
0x82: {  	_ =	shalt  }
0x83: {  	_ =	shalt  }
0x84: {  	_ =	shalt  }
0x85: {  	_ =	shalt  }
0x86: {  	_ =	shalt  }
0x87: {  	_ =	shalt  }
.Lfunc_end0:
.L_simem_size_0:
called_computation_lowered:
.L_overlay_start_0:
0x88: {  	s2 =	sld [smem:$0x3FD9]  }
0x89: {  	s3 =	sld [smem:$0x3FFE];
	_ =	sdelay $0x1  }
0x8a: {  	s1 =	srdreg.scid  }
0x8b: {  	s0 =	sand.u32 $0x1, s1  }
0x8c: {  	s16 =	sshll.u32 s0, $0xA;
	s2 =	sadd.s32 s3, s2  }
0x8d: {  	s2 =	sadd.s32 s2, s16  }
0x8e: {  	[smem:$0x3FB7] =	sst s2  }
0x8f: {  	_ = 	snop  }
0x90: {  	(tm) =	ssettm $0x1  }
0x91: {  	s17 =	sld [smem:$0x3FFB];
	_ =	sdelay $0x3  }
0x92: {  	_ =	strace s17  }
0x93: {  	s2 =	sld [smem:$0x3FFC];
	_ =	sdelay $0x3  }
0x94: {  	_ =	strace s2  }
0x95: {  	s2 =	sld [smem:$0x3FFD];
	_ =	sdelay $0x3  }
0x96: {  	_ =	strace s2  }
0x97: {  	_ =	strace $0x8FFFFFFF  }
0x98: {  	s18 =	sld [smem:$0x3FDB];
	_ =	sdelay $0x1  }
0x99: {  	s19 =	simm.s32 $_scs_section_size  }
0x9a: {  	s4 =	simm.s32 $_size__tile_overlayer_lowered;
	s5 =	simm.s32 $_tile_overlayer_lowered  }
0x9b: {  	s22 =	simm.s32 $0x1BFF;
	s21 =	sshll.u32 s5, $0x1;
	s2 =	sadd.s32 s19, s18  }
0x9c: {  	s6 =	simm.s32 $0x0;
	s20 =	sshll.u32 s4, $0x1;
	s4 =	sadd.s32 s21, s2  }
0x9d: {  	[timem:s6], [sflag:s22] =	dma.local [hbm:s4], s20  }
0x9e: {  	_ =	swait.ge [sflag:s22], s20  }
0x9f: {  	s3 =	ssub.s32 $0x0, s20;
	[sflag:s22] =	ssyncset.done $0x0  }
0xa0: {  	[sflag:s22] =	ssyncadd.s32 s3;
	_ =	sdelay $0x1  }
0xa1: {  	s23 =	simm.s32 $0x1B8B  }
0xa2: {  	_ =	swait.ge [sflag:s23], $0x1  }
0xa3: {  	[sflag:s23] =	ssyncset.done $0x0  }
0xa4: {  	s25 =	simm.s32 $0x1B8E;
	s24 =	sld [smem:$0x3FFE];
	[sflag:s23] =	ssyncadd.s32 $0xFFFFFFFF  }
0xa5: {  	s26 =	simm.s32 $execute0_lowered;
	[smem:$0x3FD2] =	sst s25  }
0xa6: {  	s4 =	sshll.u32 s26, $0x1;
	_ =	strace $0x80000046;
	[dreg:$0x1] =	wrdreg $0xFFFFFFFF  }
0xa7: {  	s28 =	simm.s32 $_size_execute0_lowered;
	s2 =	sadd.s32 s2, s4;
	[dreg:$0x0] =	wrdreg $0x0  }
0xa8: {  	s4 =	sshll.u32 s28, $0x1;
	[dreg:$0x2] =	wrdreg s2  }
0xa9: {  	[dreg:$0x3] =	wrdreg s4  }
0xaa: {  	[dreg:$0x4] =	wrdreg $0xC0  }
0xab: {  	_ =	task [dreg:s6], $0x5FFFF  }
0xac: {  	[dreg:$0x1] =	wrdreg $0xFFFFFFFF  }
0xad: {  	[dreg:$0x0] =	wrdreg $0x60  }
0xae: {  	[dreg:$0x2] =	wrdreg s24  }
0xaf: {  	[dreg:$0x3] =	wrdreg $0xA7000  }
0xb0: {  	[dreg:$0x4] =	wrdreg $0xCF000  }
0xb1: {  	[dreg:$0x5] =	wrdreg $0x9  }
0xb2: {  	_ =	task.clear_ibuf [dreg:s6], $0x6FFFF;
	_ =	strace $0x90000046  }
0xb3: {  	s29 =	simm.s32 $0x9;
	_ =	strace $0x80000048  }
0xb4: {  	_ =	swait.ge [sflag:s29], $0x1  }
0xb5: {  	[sflag:s29] =	ssyncadd.s32 $0xFFFFFFFF  }
0xb6: {  	_ =	strace $0x90000048  }
0xb7: {  	_ =	sfence  }
0xb8: {  	s30 =	sld [smem:$0x0];
	_ =	sdelay $0x2  }
0xb9: {  	s31 =	sshll.u32 s1, $0xD;
	s1 =	sshrl.u32 s1, $0x2  }
0xba: {  	s3 =	sand.u32 $0x4000, s31;
	s1 =	sadd.s32 s1, s30  }
0xbb: {  	s0 =	sor.u32 s3, s0;
	s1 =	sshll.u32 s1, $0x11  }
0xbc: {  	s0 =	sor.u32 s1, s0  }
0xbd: {  	s0 =	sadd.s32 $0x8F2B, s0  }
0xbe: {  	[sflag:s0] =	ssyncadd.remote.s32 $0x1  }
0xbf: {  	_ =	sfence.sel $0xFFFF  }
0xc0: {  	[dreg:$0x0] =	wrdreg $0xFFFFFFFF;
	(pc) =	sbr.abs _section_cstart, $3  }
0xc1: {  	[dreg:$0x1] =	wrdreg $0xFFFFFFFF  }
0xc2: {  	_ =	task.clear_ibuf [dreg:s6], $0x2FFFF;
	_ =	strace $0x9FFFFFFF  }
0xc3: {  	(tm) =	ssettm $0x7FFFFFFF  }
tec
execute0_lowered:
.L_overlay_start_1:
0x0: {  	(tag) =	ssettag $0x1  }
0x1: {  	s4 =	rddreg [dreg:$0x0]  }
0x2: {  	s6 =	rddreg [dreg:$0x1]  }
0x3: {  	s1 =	rddreg [dreg:$0x2];
	s2 =	srdreg.scid  }
0x4: {  	s0 =	rddreg [dreg:$0x3];
	s3 =	simm.s32 $0x0;
	s15 =	simm.s32 $0x4F80  }
0x5: {  	s16 =	simm.s32 $0x5480;
	s17 =	simm.s32 $0x5700;
	s18 =	simm.s32 $0x7F00  }
0x6: {  	s19 =	simm.s32 $0x9300;
	s5 =	sand.u32 $0x1, s2;
	s2 =	stileid.u32  }
0x7: {  	s20 =	simm.s32 $0x0;
	[smem:$0x7FF] =	sst s3;
	s26 =	smul.u32 $0x4E4, s2  }
0x8: {  	s10 =	sadd.s32 $0x1E00, s4;
	s7 =	sshll.u32 s5, $0x4;
	s13 =	smul.u32 $0x5000, s2  }
0x9: {  	_ =	strace $0x80000047;
	s9 =	sshrl.u32 s2, $0x3;
	s14 =	smul.u32 $0xA00, s2  }
0xa: {  	s5 =	ssub.s32 $0x2, s5;
	s7 =	sor.u32 s2, s7;
	s9 =	smul.u32 $0x50000, s9  }
0xb: {  	s28 =	sshll.u32 s2, $0x7;
	s11 =	sshrl.u32 s5, $0x1;
	s8 =	smul.u32 $0x272, s7  }
0xc: {  	s11 =	ssub.s32 s5, s11;
	s5 =	sand.u32 $0x380, s28;
	s30 =	sshrl.u32 s13, $0x2  }
0xd: {  	s31 =	sshrl.u32 s14, $0x2;
	s13 =	simm.s32 $0x80;
	s14 =	simm.s32 $0x400  }
0xe: {  	s9 =	sshrl.u32 s9, $0x2;
	s7 =	sadd.s32 s31, s1;
	s12 =	sadd.s32 s8, s4  }
0xf: {  	s4 =	sadd.s32 s10, s26;
	s29 =	sadd.s32 s9, s6;
	s6 =	sadd.s32 s30, s6  }
0x10: {  	s8 =	sadd.s32 s10, s8;
	s10 =	smax.u32 s11, $0x1;
	s11 =	simm.s32 $0x1  }
0x11: {  	v0 =	vimm.s32 $0x0;
	v1 =	vimm.s32 $0x1;
	s5 =	sadd.s32 s5, s29;
	s9 =	sadd.s32 $0x6E00, s12;
	s12 =	simm.s32 $0x2780  }
.LBB2_1:
0x12: {  	[tilespmem:s3], [sflag:$0x1] =	stream.linear.gather [hbm4b:s4+s3], $0x2720, $0x38;
	[tilespmem:$0xD180] =	vst v63  }
0x13: {  	_ =	swait.ge [sflag:s11], $0x2720  }
0x14: {  	[sflag:s11] =	ssyncset.done $0x0  }
0x15: {  	s21 =	simm.s32 $0x0;
	[sflag:s11] =	ssyncadd.s32 $0xFFFFD8E0  }
.LBB2_2:
0x16: {  	p0 =	sne.s32 s21, $0x9FC0  }
.Ltmp0:
0x17: {  	_ = 	snop;
	(pc) =	sbr.rel @p0 .LBB2_2-.Ltmp0, $3  }
0x18: {  	_ =	sdelay $0x1  }
0x19: {  	s22 =	sshra.s32 s21, $0x2  }
0x1a: {  	s21 =	sadd.s32 $0x40, s21;
	[tilespmem:s22+$0x2780] =	vst v0  }
0x1b: {  	s22 =	simm.s32 $0x0;
	s21 =	simm.s32 $0x40  }
.LBB2_4:
0x1c: {  	p0 =	sne.s32 s21, $0x9C40;
	v2 =	vld [tilespmem:s22+$0x0];
	_ =	sdelay $0x3  }
.Ltmp1:
0x1d: {  	(pc) =	sbr.rel @p0 .LBB2_4-.Ltmp1, $2  }
0x1e: {  	_ =	sdelay $0x2  }
0x1f: {  	s22 =	sshra.s32 s21, $0x2;
	s21 =	sadd.s32 $0x40, s21;
	[tilespmem:v2+s12+$0x0] =	vst.idx.add.s32.msk $0xffff, v1  }
0x20: {  	v2 =	vld [tilespmem:s22+$0x0];
	_ =	sdelay $0x7  }
0x21: {  	[tilespmem:v2+s12+$0x0] =	vst.idx.add.s32.msk $0xffff, v1  }
0x22: {  	[spmem:s5] =	stream.strided.scatter [tilespmem:s12], [sflag:$0x1], $0x2800, s14, s13, $0x38;
	[tilespmem:$0xD180] =	vst v63  }
0x23: {  	_ =	swait.ge [sflag:s11], $0x2800  }
0x24: {  	[sflag:s11] =	ssyncset.done $0x0  }
0x25: {  	[sflag:s11] =	ssyncadd.s32 $0xFFFFD800  }
0x26: {  	[bflag:$0x0] =	sbarrier.arrive $0xFFFF  }
0x27: {  	[tilespmem:$0x5200] =	vst v0  }
0x28: {  	[tilespmem:$0x5210] =	vst v0  }
0x29: {  	[tilespmem:$0x5220] =	vst v0  }
0x2a: {  	[tilespmem:$0x5230] =	vst v0  }
0x2b: {  	[tilespmem:$0x5240] =	vst v0  }
0x2c: {  	[tilespmem:$0x5250] =	vst v0  }
0x2d: {  	[tilespmem:$0x5260] =	vst v0  }
0x2e: {  	[tilespmem:$0x5270] =	vst v0  }
0x2f: {  	[tilespmem:$0x5280] =	vst v0  }
0x30: {  	[tilespmem:$0x5290] =	vst v0  }
0x31: {  	[tilespmem:$0x52A0] =	vst v0  }
0x32: {  	[tilespmem:$0x52B0] =	vst v0  }
0x33: {  	[tilespmem:$0x52C0] =	vst v0  }
0x34: {  	[tilespmem:$0x52D0] =	vst v0  }
0x35: {  	[tilespmem:$0x52E0] =	vst v0  }
0x36: {  	[tilespmem:$0x52F0] =	vst v0  }
0x37: {  	[tilespmem:$0x5300] =	vst v0  }
0x38: {  	[tilespmem:$0x5310] =	vst v0  }
0x39: {  	[tilespmem:$0x5320] =	vst v0  }
0x3a: {  	[tilespmem:$0x5330] =	vst v0  }
0x3b: {  	[tilespmem:$0x5340] =	vst v0  }
0x3c: {  	[tilespmem:$0x5350] =	vst v0  }
0x3d: {  	[tilespmem:$0x5360] =	vst v0  }
0x3e: {  	[tilespmem:$0x5370] =	vst v0  }
0x3f: {  	[tilespmem:$0x5380] =	vst v0  }
0x40: {  	[tilespmem:$0x5390] =	vst v0  }
0x41: {  	[tilespmem:$0x53A0] =	vst v0  }
0x42: {  	[tilespmem:$0x53B0] =	vst v0  }
0x43: {  	[tilespmem:$0x53C0] =	vst v0  }
0x44: {  	[tilespmem:$0x53D0] =	vst v0  }
0x45: {  	[tilespmem:$0x53E0] =	vst v0  }
0x46: {  	[tilespmem:$0x53F0] =	vst v0  }
0x47: {  	[tilespmem:$0x5400] =	vst v0  }
0x48: {  	[tilespmem:$0x5410] =	vst v0  }
0x49: {  	[tilespmem:$0x5420] =	vst v0  }
0x4a: {  	[tilespmem:$0x5430] =	vst v0  }
0x4b: {  	[tilespmem:$0x5440] =	vst v0  }
0x4c: {  	[tilespmem:$0x5450] =	vst v0  }
0x4d: {  	[tilespmem:$0x5460] =	vst v0  }
0x4e: {  	s21 =	simm.s32 $0x0;
	[tilespmem:$0x5470] =	vst v0  }
.LBB2_6:
0x4f: {  	s22 =	sshrl.u32 s21, $0x3  }
0x50: {  	s22 =	smul.u32 $0x50000, s22;
	_ =	sdelay $0x1  }
0x51: {  	s23 =	sshll.u32 s21, $0x7;
	s22 =	sshra.s32 s22, $0x2  }
0x52: {  	s23 =	sand.u32 $0x380, s23;
	s22 =	sadd.s32 s22, s6  }
0x53: {  	s22 =	sadd.s32 s23, s22  }
0x54: {  	[tilespmem:s15], [sflag:$0x1] =	stream.strided.gather [spmem:s22], $0x280, s14, s13, $0x38;
	[tilespmem:$0xD180] =	vst v63  }
0x55: {  	_ =	swait.ge [sflag:s11], $0x280  }
0x56: {  	[sflag:s11] =	ssyncset.done $0x0  }
0x57: {  	s22 =	simm.s32 $0x0;
	[sflag:s11] =	ssyncadd.s32 $0xFFFFFD80  }
0x58: {  	s23 =	simm.s32 $0x40;
	v2 =	vld [tilespmem:s22+$0x4F80]  }
.LBB2_7:
0x59: {  	p0 =	sne.s32 s23, $0x9C0;
	v3 =	vld [tilespmem:s22+$0x5200];
	_ =	sdelay $0x1  }
.Ltmp2:
0x5a: {  	(pc) =	sbr.rel @p0 .LBB2_7-.Ltmp2, $3  }
0x5b: {  	_ =	sdelay $0x1  }
0x5c: {  	s24 =	sshra.s32 s23, $0x2;
	v3 =	vadd.s32 v3, v2  }
0x5d: {  	s23 =	sadd.s32 $0x40, s23;
	v2 =	vld [tilespmem:s24+$0x4F80];
	[tilespmem:s22+$0x5200] =	vst v3;
	s22 =	smov.u32 s24  }
0x5e: {  	v3 =	vld [tilespmem:s22+$0x5200];
	s21 =	sadd.s32 $0x1, s21  }
0x5f: {  	p0 =	sne.s32 s21, $0x10  }
.Ltmp3:
0x60: {  	_ = 	snop;
	(pc) =	sbr.rel @p0 .LBB2_6-.Ltmp3, $3  }
0x61: {  	_ =	sdelay $0x1  }
0x62: {  	v2 =	vadd.s32 v3, v2  }
0x63: {  	[tilespmem:s22+$0x5200] =	vst v2  }
0x64: {  	s21 =	simm.s32 $0x0  }
0x65: {  	s22 =	simm.s32 $0x10;
	v2 =	vld [tilespmem:s21+$0x5200]  }
0x66: {  	v3 =	vld [tilespmem:s22+$0x5200];
	_ =	sdelay $0x3  }
0x67: {  	v2 =	vcvt.s32.f32 v2  }
0x68: {  	v3 =	vcvt.s32.f32 v3  }
0x69: {  	v2 =	vmax.f32 v2, $1.000000000e+00  }
0x6a: {  	v3 =	vmax.f32 v3, $1.000000000e+00;
	(erf) = vrcp.f32 v2  }
0x6b: {  	s23 =	simm.s32 $0x20;
	(erf) = vrcp.f32 v3  }
0x6c: {  	s24 =	simm.s32 $0xC0;
	v2 =	vld [tilespmem:s23+$0x5200]  }
.LBB2_10:
0x6d: {  	_ =	sdelay $0x1  }
0x6e: {  	p0 =	sne.s32 s24, $0x9C0  }
.Ltmp4:
0x6f: {  	_ = 	snop;
	(pc) =	sbr.rel @p0 .LBB2_10-.Ltmp4, $3  }
0x70: {  	v3 =	vcvt.s32.f32 v2;
	_ =	sdelay $0x1  }
0x71: {  	s25 =	sshra.s32 s24, $0x2;
	s24 =	sadd.s32 $0x40, s24;
	v4 =	vpop (erf);
	v3 =	vmax.f32 v3, $1.000000000e+00  }
0x72: {  	v2 =	vld [tilespmem:s25+$0x5200];
	[tilespmem:s21+$0x5480] =	vst v4;
	s21 =	smov.u32 s22;
	s22 =	smov.u32 s23;
	s23 =	smov.u32 s25;
	(erf) = vrcp.f32 v3  }
0x73: {  	_ =	sdelay $0x3  }
0x74: {  	v2 =	vcvt.s32.f32 v2;
	_ =	sdelay $0x1  }
0x75: {  	v2 =	vmax.f32 v2, $1.000000000e+00  }
0x76: {  	(erf) = vrcp.f32 v2;
	_ =	sdelay $0x6  }
0x77: {  	v2 =	vpop (erf)  }
0x78: {  	[tilespmem:s21+$0x5480] =	vst v2;
	v2 =	vpop (erf)  }
0x79: {  	[tilespmem:s22+$0x5480] =	vst v2;
	v2 =	vpop (erf)  }
0x7a: {  	[tilespmem:s23+$0x5480] =	vst v2  }
0x7b: {  	[spmem:s7] =	stream.linear.scatter [tilespmem:s16], [sflag:$0x1], $0x280, $0x38;
	[tilespmem:$0xD180] =	vst v63  }
0x7c: {  	_ =	swait.ge [sflag:s11], $0x280  }
0x7d: {  	[sflag:s11] =	ssyncset.done $0x0  }
0x7e: {  	[sflag:s11] =	ssyncadd.s32 $0xFFFFFD80  }
0x7f: {  	[bflag:$0x0] =	sbarrier.arrive $0xFFFF  }
0x80: {  	[tilespmem:s17], [sflag:$0x1] =	stream.linear.gather [spmem:s1], $0x2800, $0x38;
	[tilespmem:$0xD180] =	vst v63  }
0x81: {  	_ =	swait.ge [sflag:s11], $0x2800  }
0x82: {  	[sflag:s11] =	ssyncset.done $0x0  }
0x83: {  	s31 =	simm.s32 $0x0;
	[sflag:s11] =	ssyncadd.s32 $0xFFFFD800  }
0x84: {  	[tilespmem:s18], [sflag:$0x1] =	stream.linear.gather [hbm4b:s8+s31], $0x1390, $0x38;
	[tilespmem:$0xD180] =	vst v63  }
0x85: {  	_ =	swait.ge [sflag:s11], $0x1390  }
0x86: {  	[sflag:s11] =	ssyncset.done $0x0  }
0x87: {  	s21 =	simm.s32 $0x0;
	[sflag:s11] =	ssyncadd.s32 $0xFFFFEC70  }
0x88: {  	v2 =	vld [tilespmem:s21+$0x7F00];
	_ =	sdelay $0x7  }
0x89: {  	s22 =	simm.s32 $0x10;
	s23 =	simm.s32 $0x80;
	v2 =	vld.idx.msk [tilespmem:v2+s17+$0x0], $0xffff  }
.LBB2_12:
0x8a: {  	p0 =	sne.s32 s23, $0x4E00;
	v3 =	vld [tilespmem:s22+$0x7F00];
	_ =	sdelay $0x3  }
.Ltmp5:
0x8b: {  	(pc) =	sbr.rel @p0 .LBB2_12-.Ltmp5, $2  }
0x8c: {  	[tilespmem:s21+$0x9300] =	vst v2;
	s21 =	smov.u32 s22;
	_ =	sdelay $0x2  }
0x8d: {  	s22 =	sshra.s32 s23, $0x2;
	s23 =	sadd.s32 $0x40, s23;
	v2 =	vld.idx.msk [tilespmem:v3+s17+$0x0], $0xffff  }
0x8e: {  	v3 =	vld [tilespmem:s22+$0x7F00];
	_ =	sdelay $0x6  }
0x8f: {  	[tilespmem:s21+$0x9300] =	vst v2  }
0x90: {  	v2 =	vld.idx.msk [tilespmem:v3+s17+$0x0], $0xffff;
	_ =	sdelay $0x2  }
0x91: {  	s20 =	sadd.s32 $0x1, s20  }
0x92: {  	p0 =	sne.s32 s20, s10  }
.Ltmp6:
0x93: {  	[tilespmem:s22+$0x9300] =	vst v2;
	(pc) =	sbr.rel @p0 .LBB2_1-.Ltmp6, $4  }
0x94: {  	[hbm4b:s9+s3] =	stream.linear.scatter [tilespmem:s19], [sflag:$0x1], $0x1390, $0x38;
	[tilespmem:$0xD180] =	vst v63  }
0x95: {  	_ =	swait.ge [sflag:s11], $0x1390  }
0x96: {  	[sflag:s11] =	ssyncset.done $0x0  }
0x97: {  	[sflag:s11] =	ssyncadd.s32 $0xFFFFEC70  }
0x98: {  	_ =	sfence.sel $0x180000  }
0x99: {  	[bflag:$0x0] =	sbarrier.arrive $0xFFFF  }
0x9a: {  	p0 =	sne.s32 s2, $0x0;
	_ =	strace $0x90000047  }
0x9b: {  	s0 =	sadd.s32 @!p0 $0x100000, s0;
	[bflag:$0x2] =	sbarrier.arrive $0xFFFF  }
0x9c: {  	[sflag:s0] =	ssyncadd.tile.s32 @!p0 $0x1;
	_ =	shalt  }
.Lfunc_end2:
_tile_overlayer_lowered:
.L_overlay_start_2:
0x9d: {  	(tag) =	ssettag $0x2  }
0x9e: {  	s0 =	rddreg [dreg:$0x0];
	s2 =	stileid.u32  }
0x9f: {  	s1 =	rddreg [dreg:$0x1];
	p0 =	sne.s32 s2, $0x0  }
0xa0: {  	s3 =	rddreg [dreg:$0x2];
	[bflag:$0x3] =	sbarrier.arrive $0xFFFF;
	s2 =	simm.s32 @!p0 $0x1C01  }
0xa1: {  	[timem:s3], [sflag:s2] =	dma.local @!p0 [hbm:s0], s1  }
0xa2: {  	s0 =	simm.s32 @!p0 $0x1  }
0xa3: {  	_ =	swait.ge @!p0 [sflag:s0], s1  }
0xa4: {  	s1 =	ssub.s32 @!p0 $0x0, s1;
	[sflag:s0] =	ssyncset.done @!p0 $0x0  }
0xa5: {  	[sflag:s0] =	ssyncadd.s32 @!p0 s1  }
0xa6: {  	[bflag:$0x3] =	sbarrier.arrive $0xFFFF  }
0xa7: {  	_ =	shalt  }

</sc_bundles>
